<compile_context>
chip_gen: v7x
topology: tpu7x:2x2x1
jax: 0.10.2.dev20260603
libtpu: 0.0.44.dev20260713+nightly
codegen_flags: <defaults>
</compile_context>

<pallas_src>
import math

import jax
import jax.numpy as jnp
import numpy as np
from jax import lax
from jax.experimental import pallas as pl
from jax.experimental.pallas import tpu as pltpu
from jax.experimental.pallas import tpu_sc as plsc

_ANCHORS = [[[116, 90], [156, 198], [373, 326]],
            [[30, 61], [62, 45], [59, 119]],
            [[10, 13], [16, 30], [33, 23]]]
_STRIDES = [32, 16, 8]
_HW = [16, 32, 64]
_NT = 160
_EPS = 1e-9
_NW = 32
_CELLS = [16 * 3 * h * h for h in _HW]
_CHUNK = [c // _NW for c in _CELLS]
_OFF = [0, _CHUNK[0], _CHUNK[0] + _CHUNK[1]]
_BASE = [0, _CELLS[0], _CELLS[0] + _CELLS[1]]
_TOT = sum(_CELLS)
_PERW = sum(_CHUNK)


def _softplus(x):
    return jnp.maximum(x, 0.0) + jnp.log1p(jnp.exp(-jnp.abs(x)))


def _ciou(px, py, pw, ph, tx, ty, tw, th):
    b1_x1 = px - pw / 2
    b1_x2 = px + pw / 2
    b1_y1 = py - ph / 2
    b1_y2 = py + ph / 2
    b2_x1 = tx - tw / 2
    b2_x2 = tx + tw / 2
    b2_y1 = ty - th / 2
    b2_y2 = ty + th / 2
    inter = (jnp.clip(jnp.minimum(b1_x2, b2_x2) - jnp.maximum(b1_x1, b2_x1), 0)
             * jnp.clip(jnp.minimum(b1_y2, b2_y2) - jnp.maximum(b1_y1, b2_y1), 0))
    w1 = b1_x2 - b1_x1
    h1 = b1_y2 - b1_y1 + _EPS
    w2 = b2_x2 - b2_x1
    h2 = b2_y2 - b2_y1 + _EPS
    union = w1 * h1 + w2 * h2 - inter + _EPS
    iou = inter / union
    cw = jnp.maximum(b1_x2, b2_x2) - jnp.minimum(b1_x1, b2_x1)
    ch = jnp.maximum(b1_y2, b2_y2) - jnp.minimum(b1_y1, b2_y1)
    c2 = cw ** 2 + ch ** 2 + _EPS
    rho2 = ((b2_x1 + b2_x2 - b1_x1 - b1_x2) ** 2
            + (b2_y1 + b2_y2 - b1_y1 - b1_y2) ** 2) / 4
    v = 4 / math.pi ** 2 * (jnp.arctan2(w2 / h2, 1.0)
                            - jnp.arctan2(w1 / h1, 1.0)) ** 2
    alpha = v / (1 + _EPS - iou + v)
    return iou - (rho2 / c2 + v * alpha)


def _sc_gather(f0_hbm, f1_hbm, f2_hbm, i0_hbm, i1_hbm, i2_hbm, out_hbm,
               idx_v, val_v, sem):
    wid = lax.axis_index("s") * 2 + lax.axis_index("c")
    f_hbms = (f0_hbm, f1_hbm, f2_hbm)
    i_hbms = (i0_hbm, i1_hbm, i2_hbm)
    for l in range(3):
        pltpu.sync_copy(i_hbms[l].at[pl.ds(wid * _CHUNK[l], _CHUNK[l])],
                        idx_v.at[pl.ds(_OFF[l], _CHUNK[l])])
    pltpu.async_copy(f_hbms[0].at[idx_v.at[pl.ds(0, 128)]],
                     val_v.at[pl.ds(0, 128)], sem)
    pltpu.make_async_copy(f_hbms[0].at[idx_v.at[pl.ds(0, 128)]],
                          val_v.at[pl.ds(0, 128)], sem).wait()
    for l in range(3):
        pltpu.sync_copy(val_v.at[pl.ds(_OFF[l], _CHUNK[l])],
                        out_hbm.at[pl.ds(_BASE[l] + wid * _CHUNK[l],
                                         _CHUNK[l])])


def _small_math(ts_ref, t_ref, slabs, acc, ps_scr):
    tgt = t_ref[...]
    tgtT = tgt.T
    lbox_tot = jnp.float32(0.0)
    lcls_tot = jnp.float32(0.0)
    for l in range(3):
        p_ref = slabs[l]
        nx = float(_HW[l])
        ny = float(_HW[l])
        anc = np.asarray(_ANCHORS[l], np.float32) / _STRIDES[l]
        nmax = _HW[l] - 1
        hw = _HW[l] * _HW[l]

        def body(j, _, p_ref=p_ref, nx=nx, ny=ny, nmax=nmax, hw=hw,
                 w=_HW[l]):
            giv = jnp.clip((ts_ref[j, 2] * nx).astype(jnp.int32), 0, nmax)
            gjv = jnp.clip((ts_ref[j, 3] * ny).astype(jnp.int32), 0, nmax)
            base = gjv * w + giv
            for a in range(3):
                row = p_ref[pl.ds(a * hw + base, 1), :]
                ps_scr[a, pl.ds(j, 1), :] = row
            return 0
        lax.fori_loop(0, _NT, body, 0)
        ps = ps_scr[...]

        gx = tgt[:, 2:3] * nx
        gy = tgt[:, 3:4] * ny
        gw = tgt[:, 4:5] * nx
        gh = tgt[:, 5:6] * ny
        gif = jnp.clip(jnp.floor(gx), 0.0, nx - 1)
        gjf = jnp.clip(jnp.floor(gy), 0.0, ny - 1)
        tbx = (gx - gif).reshape(1, _NT, 1)
        tby = (gy - gjf).reshape(1, _NT, 1)
        tw3 = gw.reshape(1, _NT, 1)
        th3 = gh.reshape(1, _NT, 1)

        ai = lax.broadcasted_iota(jnp.int32, (3, 1, 1), 0)
        aw = jnp.where(ai == 0, float(anc[0, 0]),
                       jnp.where(ai == 1, float(anc[1, 0]), float(anc[2, 0])))
        ah = jnp.where(ai == 0, float(anc[0, 1]),
                       jnp.where(ai == 1, float(anc[1, 1]), float(anc[2, 1])))
        rw = tw3 / aw
        rh = th3 / ah
        ratio = jnp.maximum(jnp.maximum(rw, 1.0 / rw),
                            jnp.maximum(rh, 1.0 / rh))
        mf = (ratio < 4.0).astype(jnp.float32)
        safe = jnp.maximum(jnp.sum(mf), 1.0)

        px = jax.nn.sigmoid(ps[:, :, 0:1])
        py = jax.nn.sigmoid(ps[:, :, 1:2])
        pw = jnp.exp(ps[:, :, 2:3]) * aw
        ph = jnp.exp(ps[:, :, 3:4]) * ah
        ciou = _ciou(px, py, pw, ph, tbx, tby, tw3, th3)
        lbox_tot = lbox_tot + jnp.sum((1.0 - ciou) * mf) / safe

        cls_ids = tgt[:, 1:2].astype(jnp.int32).reshape(1, _NT, 1)
        kiota = lax.broadcasted_iota(jnp.int32, (1, _NT, 80), 2)
        onehot = (kiota == cls_ids).astype(jnp.float32)
        xc = ps[:, :, 5:85]
        spsum = jnp.sum(_softplus(xc), axis=2, keepdims=True)
        xat = jnp.sum(xc * onehot, axis=2, keepdims=True)
        lcls_tot = lcls_tot + jnp.sum(mf * (spsum - xat)) / (safe * 80.0)

        cell_col = gjf * nx + gif
        gxr = tgtT[2:3, :] * nx
        gyr = tgtT[3:4, :] * ny
        cell_row = (jnp.clip(jnp.floor(gyr), 0.0, ny - 1) * nx
                    + jnp.clip(jnp.floor(gxr), 0.0, nx - 1))
        gwr = tgtT[4:5, :] * nx
        ghr = tgtT[5:6, :] * ny
        eq = (cell_col == cell_row).astype(jnp.float32)
        jidx = lax.broadcasted_iota(jnp.int32, (_NT, _NT), 0)
        kidx = lax.broadcasted_iota(jnp.int32, (_NT, _NT), 1)
        later = (kidx > jidx).astype(jnp.float32)
        corr = jnp.float32(0.0)
        for a in range(3):
            awf = float(anc[a, 0])
            ahf = float(anc[a, 1])
            rwr = gwr / awf
            rhr = ghr / ahf
            keep_row = ((jnp.maximum(jnp.maximum(rwr, 1.0 / rwr),
                                     jnp.maximum(rhr, 1.0 / rhr)) < 4.0)
                        .astype(jnp.float32))
            exists = jnp.max(eq * later * keep_row, axis=1, keepdims=True)
            mf_a = mf[a:a + 1, :, :].reshape(_NT, 1)
            last_a = mf_a * (1.0 - exists)
            x4_a = ps[a:a + 1, :, 4:5].reshape(_NT, 1)
            tval = jnp.maximum(ciou[a:a + 1, :, :].reshape(_NT, 1), 0.0)
            corr = corr + jnp.sum(last_a * x4_a * tval)
        acc[2 + l] = corr
    acc[0] = lbox_tot
    acc[1] = lcls_tot


def _tc_kernel(ts_ref, t_ref, b0_ref, b1_ref, b2_ref, obj_ref,
               loss_ref, vec_ref, ps_scr, acc):
    _small_math(ts_ref, t_ref, (b0_ref, b1_ref, b2_ref), acc, ps_scr)
    x = obj_ref[...]
    r0 = _CELLS[0] // 128
    r1 = r0 + _CELLS[1] // 128
    sp0 = jnp.sum(_softplus(x[0:r0, :]))
    sp1 = jnp.sum(_softplus(x[r0:r1, :]))
    sp2 = jnp.sum(_softplus(x[r1:, :]))
    lobj = jnp.float32(0.0)
    for l, sp in enumerate((sp0, sp1, sp2)):
        lobj = lobj + (sp - acc[2 + l]) / float(_CELLS[l])
    lbox = acc[0] * 0.05
    lcls = acc[1] * 0.5
    loss = lbox + lobj + lcls
    loss_ref[0] = loss
    vec_ref[0] = lbox
    vec_ref[1] = lobj
    vec_ref[2] = lcls
    vec_ref[3] = loss


@jax.jit
def kernel(preds0, preds1, preds2, targets):
    flat2d = [jnp.reshape(p, (-1, 85)) for p in (preds0, preds1, preds2)]
    flat1d = [jnp.reshape(p, (-1,)) for p in (preds0, preds1, preds2)]
    idxs = [jnp.arange(c, dtype=jnp.int32) * 85 + 4 for c in _CELLS]

    sc = pl.kernel(
        _sc_gather,
        out_type=jax.ShapeDtypeStruct((_TOT,), jnp.float32),
        mesh=plsc.VectorSubcoreMesh(core_axis_name="c", subcore_axis_name="s"),
        scratch_types=[
            pltpu.VMEM((_PERW,), jnp.int32),
            pltpu.VMEM((_PERW,), jnp.float32),
            pltpu.SemaphoreType.DMA,
        ],
    )
    obj = sc(flat1d[0], flat1d[1], flat1d[2], idxs[0], idxs[1], idxs[2])

    rows = [f.shape[0] for f in flat2d]
    tc = pl.pallas_call(
        _tc_kernel,
        grid=(1,),
        in_specs=[
            pl.BlockSpec(memory_space=pltpu.SMEM),
            pl.BlockSpec((_NT, 6), lambda i: (0, 0)),
            pl.BlockSpec((rows[0] // 16, 85), lambda i: (0, 0)),
            pl.BlockSpec((rows[1] // 16, 85), lambda i: (0, 0)),
            pl.BlockSpec((rows[2] // 16, 85), lambda i: (0, 0)),
            pl.BlockSpec((_TOT // 128, 128), lambda i: (0, 0)),
        ],
        out_specs=[
            pl.BlockSpec(memory_space=pltpu.SMEM),
            pl.BlockSpec(memory_space=pltpu.SMEM),
        ],
        out_shape=[
            jax.ShapeDtypeStruct((1,), jnp.float32),
            jax.ShapeDtypeStruct((4,), jnp.float32),
        ],
        scratch_shapes=[
            pltpu.VMEM((3, _NT, 85), jnp.float32),
            pltpu.SMEM((8,), jnp.float32),
        ],
        interpret=False,
    )
    loss, vec = tc(targets, targets, *flat2d,
                   jnp.reshape(obj, (_TOT // 128, 128)))
    return loss, vec

# --- scband reference (transcript-rebuilt; emitter-appended) ---
"""Pipeline reference for scband-yolov3-loss-34557306863980 (READ-ONLY COPY).

The authoritative reference and input builder live on the scoring server;
editing this copy changes nothing except your own understanding.
"""

import math
import jax
import jax.numpy as jnp
import numpy as np

ANCHORS = [[[116, 90], [156, 198], [373, 326]], [[30, 61], [62, 45], [59, 119]], [[10, 13], [16, 30], [33, 23]]]
STRIDES = [32, 16, 8]


def _bce_with_logits(x, z):
    return jnp.mean(jnp.maximum(x, 0.0) - x * z + jnp.log1p(jnp.exp(-jnp.abs(x))))


def _masked_bce_with_logits(x, z, mf, safe_count):
    elem = jnp.maximum(x, 0.0) - x * z + jnp.log1p(jnp.exp(-jnp.abs(x)))
    return jnp.sum(elem * mf[:, None]) / (safe_count * x.shape[1])


def _bbox_ciou(box1, box2, eps=1e-9):
    box2 = box2.T
    b1_x1 = box1[0] - box1[2] / 2
    b1_x2 = box1[0] + box1[2] / 2
    b1_y1 = box1[1] - box1[3] / 2
    b1_y2 = box1[1] + box1[3] / 2
    b2_x1 = box2[0] - box2[2] / 2
    b2_x2 = box2[0] + box2[2] / 2
    b2_y1 = box2[1] - box2[3] / 2
    b2_y2 = box2[1] + box2[3] / 2
    inter = jnp.clip(jnp.minimum(b1_x2, b2_x2) - jnp.maximum(b1_x1, b2_x1), 0) * jnp.clip(jnp.minimum(b1_y2, b2_y2) - jnp.maximum(b1_y1, b2_y1), 0)
    w1 = b1_x2 - b1_x1
    h1 = b1_y2 - b1_y1 + eps
    w2 = b2_x2 - b2_x1
    h2 = b2_y2 - b2_y1 + eps
    union = w1 * h1 + w2 * h2 - inter + eps
    iou = inter / union
    cw = jnp.maximum(b1_x2, b2_x2) - jnp.minimum(b1_x1, b2_x1)
    ch = jnp.maximum(b1_y2, b2_y2) - jnp.minimum(b1_y1, b2_y1)
    c2 = cw ** 2 + ch ** 2 + eps
    rho2 = ((b2_x1 + b2_x2 - b1_x1 - b1_x2) ** 2 + (b2_y1 + b2_y2 - b1_y1 - b1_y2) ** 2) / 4
    v = 4 / math.pi ** 2 * (jnp.arctan(w2 / h2) - jnp.arctan(w1 / h1)) ** 2
    alpha = jax.lax.stop_gradient(v / (1 + eps - iou + v))
    return iou - (rho2 / c2 + v * alpha)


def _build_targets(pred_shapes, targets, num_anchors=3):
    nt = targets.shape[0]
    targ_cls, targ_box, indices, anch, masks = [], [], [], [], []
    anchor_index = jnp.tile(jnp.arange(num_anchors, dtype=jnp.float32).reshape(num_anchors, 1), (1, nt))
    t = jnp.concatenate([jnp.tile(targets[None], (num_anchors, 1, 1)), anchor_index[:, :, None]], axis=2)
    for i in range(3):
        anchors = jnp.asarray(ANCHORS[i], dtype=jnp.float32) / STRIDES[i]
        ny, nx = pred_shapes[i][2], pred_shapes[i][3]
        gain = jnp.array([1, 1, nx, ny, nx, ny, 1], dtype=jnp.float32)
        st = t * gain
        if nt:
            r = st[:, :, 4:6] / anchors[:, None]
            keep = (jnp.max(jnp.maximum(r, 1.0 / r), axis=2) < 4.0).reshape(-1)
            st = st.reshape(-1, 7)
        else:
            st = t[0]
            keep = jnp.zeros((st.shape[0],), dtype=bool)
        image_index = st[:, 0].astype(jnp.int32)
        class_id = st[:, 1].astype(jnp.int32)
        grid_xy = st[:, 2:4]
        grid_wh = st[:, 4:6]
        grid_i = jnp.clip(grid_xy[:, 0].astype(jnp.int32), 0, nx - 1)
        grid_j = jnp.clip(grid_xy[:, 1].astype(jnp.int32), 0, ny - 1)
        anch_inds = st[:, 6].astype(jnp.int32)
        indices.append((image_index, anch_inds, grid_j, grid_i))
        grid_ij = jnp.stack([grid_i, grid_j], axis=1).astype(jnp.float32)
        targ_box.append(jnp.concatenate([grid_xy - grid_ij, grid_wh], axis=1))
        anch.append(anchors[anch_inds])
        targ_cls.append(class_id)
        masks.append(keep)
    return targ_cls, targ_box, indices, anch, masks


def _yolo_loss(preds, targ_cls, targ_box, indices, anch, masks):
    lbox = jnp.zeros((1,), jnp.float32)
    lobj = jnp.zeros((1,), jnp.float32)
    lcls = jnp.zeros((1,), jnp.float32)
    for i, p in enumerate(preds):
        b, a, gj, gi = indices[i]
        m = masks[i]
        t_obj = jnp.zeros(p.shape[:-1], p.dtype)
        n = int(b.shape[0])
        if n:
            mf = m.astype(p.dtype)
            safe_count = jnp.maximum(jnp.sum(mf), 1.0)
            ps = p[b, a, gj, gi]
            p_xy = jax.nn.sigmoid(ps[:, :2])
            p_wh = jnp.exp(ps[:, 2:4]) * anch[i]
            pbox = jnp.concatenate([p_xy, p_wh], axis=1)
            iou = _bbox_ciou(pbox.T, targ_box[i])
            lbox = lbox + jnp.sum((1.0 - iou) * mf) / safe_count
            b_scatter = jnp.where(m, b, p.shape[0])
            t_obj = t_obj.at[b_scatter, a, gj, gi].set(jnp.maximum(jax.lax.stop_gradient(iou), 0.0).astype(t_obj.dtype))
            if ps.shape[1] - 5 > 1:
                onehot = jnp.zeros_like(ps[:, 5:]).at[jnp.arange(n), targ_cls[i]].set(1.0)
                lcls = lcls + _masked_bce_with_logits(ps[:, 5:], onehot, mf, safe_count)
        lobj = lobj + _bce_with_logits(p[..., 4], t_obj)
    lbox = lbox * 0.05
    lobj = lobj * 1.0
    lcls = lcls * 0.5
    loss = lbox + lobj + lcls
    return loss, jnp.concatenate([lbox, lobj, lcls, loss])


def setup_inputs(seed: int = 0):
    key = jax.random.key(seed)
    k0, k1, k2, k3 = jax.random.split(key, 4)
    preds0 = jax.random.normal(k0, (16, 3, 16, 16, 85), dtype=jnp.float32)
    preds1 = jax.random.normal(k1, (16, 3, 32, 32, 85), dtype=jnp.float32)
    preds2 = jax.random.normal(k2, (16, 3, 64, 64, 85), dtype=jnp.float32)
    targets = jax.random.uniform(k3, (160, 6), dtype=jnp.float32)
    return {'preds0': preds0, 'preds1': preds1, 'preds2': preds2, 'targets': targets}


def reference(preds0, preds1, preds2, targets):
    preds = [preds0, preds1, preds2]
    tc, tb, idx, an, mk = _build_targets([p.shape for p in preds], targets)
    return _yolo_loss(preds, tc, tb, idx, an, mk)

if __name__ == "__main__":
    import jax
    _d = setup_inputs()
    print(jax.jit(kernel)(*tuple(_d.values())))

</pallas_src>

<mosaic_0001>
#map = affine_map<(d0, d1) -> (0)>
module attributes {stable_mosaic.version = 14 : i64} {
  func.func @_sc_gather(%arg0: i32, %arg1: i32, %arg2: memref<1044480xf32, #tpu.memory_space<hbm>>, %arg3: memref<4177920xf32, #tpu.memory_space<hbm>>, %arg4: memref<16711680xf32, #tpu.memory_space<hbm>>, %arg5: memref<12288xi32, #tpu.memory_space<hbm>>, %arg6: memref<49152xi32, #tpu.memory_space<hbm>>, %arg7: memref<196608xi32, #tpu.memory_space<hbm>>, %arg8: memref<258048xf32, #tpu.memory_space<hbm>>, %arg9: memref<8064xi32, #tpu.memory_space<vmem>>, %arg10: memref<8064xf32, #tpu.memory_space<vmem>>, %arg11: memref<!tpu.dma_semaphore, #tpu.memory_space<semaphore_mem>>) attributes {dimension_semantics = [#tpu.dimension_semantics<core_parallel>, #tpu.dimension_semantics<subcore_parallel>], iteration_bounds = array<i64: 2, 16>, scalar_prefetch = 0 : i64, scratch_operands = 3 : i64, tpu.core_type = #tpu.core_type<sc_vector_subcore>, window_params = [{transform_indices = #map}, {transform_indices = #map}, {transform_indices = #map}, {transform_indices = #map}, {transform_indices = #map}, {transform_indices = #map}, {transform_indices = #map}]} {
    %mul3A = arith.constant 2 : i32
    %mul3A_0 = arith.muli %arg1, %mul3A : i32
    %add3A = arith.addi %mul3A_0, %arg0 : i32
    %mul3A_1 = arith.constant 384 : i32
    %mul3A_2 = arith.muli %add3A, %mul3A_1 : i32
    "tpu.region"() ({
      %run_scoped3A = tpu.sem_alloc : memref<!tpu.dma_semaphore, #tpu.memory_space<semaphore_mem>>
      %dma_start3A_29 = arith.constant 0 : i32
      %dma_start3A_30 = tpu.memref_slice %arg9[%dma_start3A_29] : memref<8064xi32, #tpu.memory_space<vmem>> -> memref<384xi32, #tpu.memory_space<vmem>>
      %dma_start3A_31 = tpu.memref_slice %arg5[%mul3A_2] : memref<12288xi32, #tpu.memory_space<hbm>> -> memref<384xi32, #tpu.memory_space<hbm>>
      %dma_start3A_32 = arith.constant 0 : i32
      %dma_start3A_33 = tpu.memref_slice %arg9[%dma_start3A_32] : memref<8064xi32, #tpu.memory_space<vmem>> -> memref<384xi32, #tpu.memory_space<vmem>>
      %dma_start3A_34 = tpu.memref_slice %arg5[%mul3A_2] : memref<12288xi32, #tpu.memory_space<hbm>> -> memref<384xi32, #tpu.memory_space<hbm>>
      tpu.enqueue_dma source(%dma_start3A_34 : memref<384xi32, #tpu.memory_space<hbm>>) target(%dma_start3A_33 : memref<384xi32, #tpu.memory_space<vmem>>) target_semaphore(%run_scoped3A : memref<!tpu.dma_semaphore, #tpu.memory_space<semaphore_mem>>)
      %dma_wait3A_35 = arith.constant 0 : i32
      %dma_wait3A_36 = tpu.memref_slice %arg9[%dma_wait3A_35] : memref<8064xi32, #tpu.memory_space<vmem>> -> memref<384xi32, #tpu.memory_space<vmem>>
      %dma_wait3A_37 = tpu.memref_slice %arg5[%mul3A_2] : memref<12288xi32, #tpu.memory_space<hbm>> -> memref<384xi32, #tpu.memory_space<hbm>>
      %dma_wait3A_38 = arith.constant 0 : i32
      %dma_wait3A_39 = tpu.memref_slice %arg9[%dma_wait3A_38] : memref<8064xi32, #tpu.memory_space<vmem>> -> memref<384xi32, #tpu.memory_space<vmem>>
      %dma_wait3A_40 = tpu.memref_slice %arg5[%mul3A_2] : memref<12288xi32, #tpu.memory_space<hbm>> -> memref<384xi32, #tpu.memory_space<hbm>>
      tpu.wait_dma2 semaphore(%run_scoped3A : memref<!tpu.dma_semaphore, #tpu.memory_space<semaphore_mem>>) src(%dma_wait3A_40 : memref<384xi32, #tpu.memory_space<hbm>>) dst(%dma_wait3A_39 : memref<384xi32, #tpu.memory_space<vmem>>)
      tpu.yield
    }) : () -> ()
    %mul3A_3 = arith.constant 1536 : i32
    %mul3A_4 = arith.muli %add3A, %mul3A_3 : i32
    "tpu.region"() ({
      %run_scoped3A = tpu.sem_alloc : memref<!tpu.dma_semaphore, #tpu.memory_space<semaphore_mem>>
      %dma_start3A_29 = arith.constant 384 : i32
      %dma_start3A_30 = tpu.memref_slice %arg9[%dma_start3A_29] : memref<8064xi32, #tpu.memory_space<vmem>> -> memref<1536xi32, #tpu.memory_space<vmem>>
      %dma_start3A_31 = tpu.memref_slice %arg6[%mul3A_4] : memref<49152xi32, #tpu.memory_space<hbm>> -> memref<1536xi32, #tpu.memory_space<hbm>>
      %dma_start3A_32 = arith.constant 384 : i32
      %dma_start3A_33 = tpu.memref_slice %arg9[%dma_start3A_32] : memref<8064xi32, #tpu.memory_space<vmem>> -> memref<1536xi32, #tpu.memory_space<vmem>>
      %dma_start3A_34 = tpu.memref_slice %arg6[%mul3A_4] : memref<49152xi32, #tpu.memory_space<hbm>> -> memref<1536xi32, #tpu.memory_space<hbm>>
      tpu.enqueue_dma source(%dma_start3A_34 : memref<1536xi32, #tpu.memory_space<hbm>>) target(%dma_start3A_33 : memref<1536xi32, #tpu.memory_space<vmem>>) target_semaphore(%run_scoped3A : memref<!tpu.dma_semaphore, #tpu.memory_space<semaphore_mem>>)
      %dma_wait3A_35 = arith.constant 384 : i32
      %dma_wait3A_36 = tpu.memref_slice %arg9[%dma_wait3A_35] : memref<8064xi32, #tpu.memory_space<vmem>> -> memref<1536xi32, #tpu.memory_space<vmem>>
      %dma_wait3A_37 = tpu.memref_slice %arg6[%mul3A_4] : memref<49152xi32, #tpu.memory_space<hbm>> -> memref<1536xi32, #tpu.memory_space<hbm>>
      %dma_wait3A_38 = arith.constant 384 : i32
      %dma_wait3A_39 = tpu.memref_slice %arg9[%dma_wait3A_38] : memref<8064xi32, #tpu.memory_space<vmem>> -> memref<1536xi32, #tpu.memory_space<vmem>>
      %dma_wait3A_40 = tpu.memref_slice %arg6[%mul3A_4] : memref<49152xi32, #tpu.memory_space<hbm>> -> memref<1536xi32, #tpu.memory_space<hbm>>
      tpu.wait_dma2 semaphore(%run_scoped3A : memref<!tpu.dma_semaphore, #tpu.memory_space<semaphore_mem>>) src(%dma_wait3A_40 : memref<1536xi32, #tpu.memory_space<hbm>>) dst(%dma_wait3A_39 : memref<1536xi32, #tpu.memory_space<vmem>>)
      tpu.yield
    }) : () -> ()
    %mul3A_5 = arith.constant 6144 : i32
    %mul3A_6 = arith.muli %add3A, %mul3A_5 : i32
    "tpu.region"() ({
      %run_scoped3A = tpu.sem_alloc : memref<!tpu.dma_semaphore, #tpu.memory_space<semaphore_mem>>
      %dma_start3A_29 = arith.constant 1920 : i32
      %dma_start3A_30 = tpu.memref_slice %arg9[%dma_start3A_29] : memref<8064xi32, #tpu.memory_space<vmem>> -> memref<6144xi32, #tpu.memory_space<vmem>>
      %dma_start3A_31 = tpu.memref_slice %arg7[%mul3A_6] : memref<196608xi32, #tpu.memory_space<hbm>> -> memref<6144xi32, #tpu.memory_space<hbm>>
      %dma_start3A_32 = arith.constant 1920 : i32
      %dma_start3A_33 = tpu.memref_slice %arg9[%dma_start3A_32] : memref<8064xi32, #tpu.memory_space<vmem>> -> memref<6144xi32, #tpu.memory_space<vmem>>
      %dma_start3A_34 = tpu.memref_slice %arg7[%mul3A_6] : memref<196608xi32, #tpu.memory_space<hbm>> -> memref<6144xi32, #tpu.memory_space<hbm>>
      tpu.enqueue_dma source(%dma_start3A_34 : memref<6144xi32, #tpu.memory_space<hbm>>) target(%dma_start3A_33 : memref<6144xi32, #tpu.memory_space<vmem>>) target_semaphore(%run_scoped3A : memref<!tpu.dma_semaphore, #tpu.memory_space<semaphore_mem>>)
      %dma_wait3A_35 = arith.constant 1920 : i32
      %dma_wait3A_36 = tpu.memref_slice %arg9[%dma_wait3A_35] : memref<8064xi32, #tpu.memory_space<vmem>> -> memref<6144xi32, #tpu.memory_space<vmem>>
      %dma_wait3A_37 = tpu.memref_slice %arg7[%mul3A_6] : memref<196608xi32, #tpu.memory_space<hbm>> -> memref<6144xi32, #tpu.memory_space<hbm>>
      %dma_wait3A_38 = arith.constant 1920 : i32
      %dma_wait3A_39 = tpu.memref_slice %arg9[%dma_wait3A_38] : memref<8064xi32, #tpu.memory_space<vmem>> -> memref<6144xi32, #tpu.memory_space<vmem>>
      %dma_wait3A_40 = tpu.memref_slice %arg7[%mul3A_6] : memref<196608xi32, #tpu.memory_space<hbm>> -> memref<6144xi32, #tpu.memory_space<hbm>>
      tpu.wait_dma2 semaphore(%run_scoped3A : memref<!tpu.dma_semaphore, #tpu.memory_space<semaphore_mem>>) src(%dma_wait3A_40 : memref<6144xi32, #tpu.memory_space<hbm>>) dst(%dma_wait3A_39 : memref<6144xi32, #tpu.memory_space<vmem>>)
      tpu.yield
    }) : () -> ()
    %dma_start3A = arith.constant 0 : i32
    %dma_start3A_7 = tpu.memref_slice %arg10[%dma_start3A] : memref<8064xf32, #tpu.memory_space<vmem>> -> memref<128xf32, #tpu.memory_space<vmem>>
    %dma_start3A_8 = arith.constant 0 : i32
    %dma_start3A_9 = tpu.memref_slice %arg9[%dma_start3A_8] : memref<8064xi32, #tpu.memory_space<vmem>> -> memref<128xi32, #tpu.memory_space<vmem>>
    %dma_start3A_10 = arith.constant 0 : i32
    %dma_start3A_11 = tpu.memref_slice %arg2[%dma_start3A_10] : memref<1044480xf32, #tpu.memory_space<hbm>> -> memref<1044480xf32, #tpu.memory_space<hbm>>
    tpu.enqueue_indirect_dma source(%dma_start3A_11 : memref<1044480xf32, #tpu.memory_space<hbm>>) target(%dma_start3A_7 : memref<128xf32, #tpu.memory_space<vmem>>) offsets(%dma_start3A_9 : memref<128xi32, #tpu.memory_space<vmem>>) semaphore(%arg11 : memref<!tpu.dma_semaphore, #tpu.memory_space<semaphore_mem>>)
    %dma_wait3A = arith.constant 0 : i32
    %dma_wait3A_12 = tpu.memref_slice %arg10[%dma_wait3A] : memref<8064xf32, #tpu.memory_space<vmem>> -> memref<128xf32, #tpu.memory_space<vmem>>
    %dma_wait3A_13 = arith.constant 0 : i32
    %dma_wait3A_14 = tpu.memref_slice %arg9[%dma_wait3A_13] : memref<8064xi32, #tpu.memory_space<vmem>> -> memref<128xi32, #tpu.memory_space<vmem>>
    %dma_wait3A_15 = arith.constant 0 : i32
    %dma_wait3A_16 = tpu.memref_slice %arg2[%dma_wait3A_15] : memref<1044480xf32, #tpu.memory_space<hbm>> -> memref<1044480xf32, #tpu.memory_space<hbm>>
    tpu.wait_indirect_dma semaphore(%arg11 : memref<!tpu.dma_semaphore, #tpu.memory_space<semaphore_mem>>) src(%dma_wait3A_16 : memref<1044480xf32, #tpu.memory_space<hbm>>) dst(%dma_wait3A_12 : memref<128xf32, #tpu.memory_space<vmem>>)
    %mul3A_17 = arith.constant 384 : i32
    %mul3A_18 = arith.muli %add3A, %mul3A_17 : i32
    %add3A_19 = arith.constant 0 : i32
    %add3A_20 = arith.addi %add3A_19, %mul3A_18 : i32
    "tpu.region"() ({
      %run_scoped3A = tpu.sem_alloc : memref<!tpu.dma_semaphore, #tpu.memory_space<semaphore_mem>>
      %dma_start3A_29 = arith.constant 0 : i32
      %dma_start3A_30 = tpu.memref_slice %arg10[%dma_start3A_29] : memref<8064xf32, #tpu.memory_space<vmem>> -> memref<384xf32, #tpu.memory_space<vmem>>
      %dma_start3A_31 = tpu.memref_slice %arg8[%add3A_20] : memref<258048xf32, #tpu.memory_space<hbm>> -> memref<384xf32, #tpu.memory_space<hbm>>
      %dma_start3A_32 = tpu.memref_slice %arg8[%add3A_20] : memref<258048xf32, #tpu.memory_space<hbm>> -> memref<384xf32, #tpu.memory_space<hbm>>
      %dma_start3A_33 = arith.constant 0 : i32
      %dma_start3A_34 = tpu.memref_slice %arg10[%dma_start3A_33] : memref<8064xf32, #tpu.memory_space<vmem>> -> memref<384xf32, #tpu.memory_space<vmem>>
      tpu.enqueue_dma source(%dma_start3A_34 : memref<384xf32, #tpu.memory_space<vmem>>) target(%dma_start3A_32 : memref<384xf32, #tpu.memory_space<hbm>>) target_semaphore(%run_scoped3A : memref<!tpu.dma_semaphore, #tpu.memory_space<semaphore_mem>>)
      %dma_wait3A_35 = arith.constant 0 : i32
      %dma_wait3A_36 = tpu.memref_slice %arg10[%dma_wait3A_35] : memref<8064xf32, #tpu.memory_space<vmem>> -> memref<384xf32, #tpu.memory_space<vmem>>
      %dma_wait3A_37 = tpu.memref_slice %arg8[%add3A_20] : memref<258048xf32, #tpu.memory_space<hbm>> -> memref<384xf32, #tpu.memory_space<hbm>>
      %dma_wait3A_38 = tpu.memref_slice %arg8[%add3A_20] : memref<258048xf32, #tpu.memory_space<hbm>> -> memref<384xf32, #tpu.memory_space<hbm>>
      %dma_wait3A_39 = arith.constant 0 : i32
      %dma_wait3A_40 = tpu.memref_slice %arg10[%dma_wait3A_39] : memref<8064xf32, #tpu.memory_space<vmem>> -> memref<384xf32, #tpu.memory_space<vmem>>
      tpu.wait_dma2 semaphore(%run_scoped3A : memref<!tpu.dma_semaphore, #tpu.memory_space<semaphore_mem>>) src(%dma_wait3A_40 : memref<384xf32, #tpu.memory_space<vmem>>) dst(%dma_wait3A_38 : memref<384xf32, #tpu.memory_space<hbm>>)
      tpu.yield
    }) : () -> ()
    %mul3A_21 = arith.constant 1536 : i32
    %mul3A_22 = arith.muli %add3A, %mul3A_21 : i32
    %add3A_23 = arith.constant 12288 : i32
    %add3A_24 = arith.addi %add3A_23, %mul3A_22 : i32
    "tpu.region"() ({
      %run_scoped3A = tpu.sem_alloc : memref<!tpu.dma_semaphore, #tpu.memory_space<semaphore_mem>>
      %dma_start3A_29 = arith.constant 384 : i32
      %dma_start3A_30 = tpu.memref_slice %arg10[%dma_start3A_29] : memref<8064xf32, #tpu.memory_space<vmem>> -> memref<1536xf32, #tpu.memory_space<vmem>>
      %dma_start3A_31 = tpu.memref_slice %arg8[%add3A_24] : memref<258048xf32, #tpu.memory_space<hbm>> -> memref<1536xf32, #tpu.memory_space<hbm>>
      %dma_start3A_32 = tpu.memref_slice %arg8[%add3A_24] : memref<258048xf32, #tpu.memory_space<hbm>> -> memref<1536xf32, #tpu.memory_space<hbm>>
      %dma_start3A_33 = arith.constant 384 : i32
      %dma_start3A_34 = tpu.memref_slice %arg10[%dma_start3A_33] : memref<8064xf32, #tpu.memory_space<vmem>> -> memref<1536xf32, #tpu.memory_space<vmem>>
      tpu.enqueue_dma source(%dma_start3A_34 : memref<1536xf32, #tpu.memory_space<vmem>>) target(%dma_start3A_32 : memref<1536xf32, #tpu.memory_space<hbm>>) target_semaphore(%run_scoped3A : memref<!tpu.dma_semaphore, #tpu.memory_space<semaphore_mem>>)
      %dma_wait3A_35 = arith.constant 384 : i32
      %dma_wait3A_36 = tpu.memref_slice %arg10[%dma_wait3A_35] : memref<8064xf32, #tpu.memory_space<vmem>> -> memref<1536xf32, #tpu.memory_space<vmem>>
      %dma_wait3A_37 = tpu.memref_slice %arg8[%add3A_24] : memref<258048xf32, #tpu.memory_space<hbm>> -> memref<1536xf32, #tpu.memory_space<hbm>>
      %dma_wait3A_38 = tpu.memref_slice %arg8[%add3A_24] : memref<258048xf32, #tpu.memory_space<hbm>> -> memref<1536xf32, #tpu.memory_space<hbm>>
      %dma_wait3A_39 = arith.constant 384 : i32
      %dma_wait3A_40 = tpu.memref_slice %arg10[%dma_wait3A_39] : memref<8064xf32, #tpu.memory_space<vmem>> -> memref<1536xf32, #tpu.memory_space<vmem>>
      tpu.wait_dma2 semaphore(%run_scoped3A : memref<!tpu.dma_semaphore, #tpu.memory_space<semaphore_mem>>) src(%dma_wait3A_40 : memref<1536xf32, #tpu.memory_space<vmem>>) dst(%dma_wait3A_38 : memref<1536xf32, #tpu.memory_space<hbm>>)
      tpu.yield
    }) : () -> ()
    %mul3A_25 = arith.constant 6144 : i32
    %mul3A_26 = arith.muli %add3A, %mul3A_25 : i32
    %add3A_27 = arith.constant 61440 : i32
    %add3A_28 = arith.addi %add3A_27, %mul3A_26 : i32
    "tpu.region"() ({
      %run_scoped3A = tpu.sem_alloc : memref<!tpu.dma_semaphore, #tpu.memory_space<semaphore_mem>>
      %dma_start3A_29 = arith.constant 1920 : i32
      %dma_start3A_30 = tpu.memref_slice %arg10[%dma_start3A_29] : memref<8064xf32, #tpu.memory_space<vmem>> -> memref<6144xf32, #tpu.memory_space<vmem>>
      %dma_start3A_31 = tpu.memref_slice %arg8[%add3A_28] : memref<258048xf32, #tpu.memory_space<hbm>> -> memref<6144xf32, #tpu.memory_space<hbm>>
      %dma_start3A_32 = tpu.memref_slice %arg8[%add3A_28] : memref<258048xf32, #tpu.memory_space<hbm>> -> memref<6144xf32, #tpu.memory_space<hbm>>
      %dma_start3A_33 = arith.constant 1920 : i32
      %dma_start3A_34 = tpu.memref_slice %arg10[%dma_start3A_33] : memref<8064xf32, #tpu.memory_space<vmem>> -> memref<6144xf32, #tpu.memory_space<vmem>>
      tpu.enqueue_dma source(%dma_start3A_34 : memref<6144xf32, #tpu.memory_space<vmem>>) target(%dma_start3A_32 : memref<6144xf32, #tpu.memory_space<hbm>>) target_semaphore(%run_scoped3A : memref<!tpu.dma_semaphore, #tpu.memory_space<semaphore_mem>>)
      %dma_wait3A_35 = arith.constant 1920 : i32
      %dma_wait3A_36 = tpu.memref_slice %arg10[%dma_wait3A_35] : memref<8064xf32, #tpu.memory_space<vmem>> -> memref<6144xf32, #tpu.memory_space<vmem>>
      %dma_wait3A_37 = tpu.memref_slice %arg8[%add3A_28] : memref<258048xf32, #tpu.memory_space<hbm>> -> memref<6144xf32, #tpu.memory_space<hbm>>
      %dma_wait3A_38 = tpu.memref_slice %arg8[%add3A_28] : memref<258048xf32, #tpu.memory_space<hbm>> -> memref<6144xf32, #tpu.memory_space<hbm>>
      %dma_wait3A_39 = arith.constant 1920 : i32
      %dma_wait3A_40 = tpu.memref_slice %arg10[%dma_wait3A_39] : memref<8064xf32, #tpu.memory_space<vmem>> -> memref<6144xf32, #tpu.memory_space<vmem>>
      tpu.wait_dma2 semaphore(%run_scoped3A : memref<!tpu.dma_semaphore, #tpu.memory_space<semaphore_mem>>) src(%dma_wait3A_40 : memref<6144xf32, #tpu.memory_space<vmem>>) dst(%dma_wait3A_38 : memref<6144xf32, #tpu.memory_space<hbm>>)
      tpu.yield
    }) : () -> ()
    return
  }
}

module attributes {stable_mosaic.version = 14 : i64} {
  func.func @_tc_kernel(%arg0: i32, %arg1: memref<160x6xf32, #tpu.memory_space<smem>>, %arg2: memref<160x6xf32, #tpu.memory_space<vmem>>, %arg3: memref<768x85xf32, #tpu.memory_space<vmem>>, %arg4: memref<3072x85xf32, #tpu.memory_space<vmem>>, %arg5: memref<12288x85xf32, #tpu.memory_space<vmem>>, %arg6: memref<2016x128xf32, #tpu.memory_space<vmem>>, %arg7: memref<1xf32, #tpu.memory_space<smem>>, %arg8: memref<4xf32, #tpu.memory_space<smem>>, %arg9: memref<3x160x85xf32, #tpu.memory_space<vmem>>, %arg10: memref<8xf32, #tpu.memory_space<smem>>) attributes {dimension_semantics = [#tpu.dimension_semantics<arbitrary>], iteration_bounds = array<i64: 1>, scalar_prefetch = 0 : i64, scratch_operands = 2 : i64, tpu.core_type = #tpu.core_type<tc>, window_params = [{transform_indices = @transform_0, window_bounds = array<i64: 160, 6>}, {pipeline_mode = #tpu.pipeline_mode<synchronous>, transform_indices = @transform_1, window_bounds = array<i64: 160, 6>}, {transform_indices = @transform_2, window_bounds = array<i64: 768, 85>}, {transform_indices = @transform_3, window_bounds = array<i64: 3072, 85>}, {transform_indices = @transform_4, window_bounds = array<i64: 12288, 85>}, {pipeline_mode = #tpu.pipeline_mode<synchronous>, transform_indices = @transform_5, window_bounds = array<i64: 2016, 128>}, {transform_indices = @transform_6, window_bounds = array<i64: 1>}, {transform_indices = @transform_7, window_bounds = array<i64: 4>}]} {
    %get3A = arith.constant 0 : index
    %get3A_0 = arith.constant 0 : index
    %get3A_1 = vector.load %arg2[%get3A, %get3A_0] : memref<160x6xf32, #tpu.memory_space<vmem>>, vector<160x6xf32>
    %transpose3A = tpu.transpose %get3A_1, [1, 0] : vector<160x6xf32> -> vector<6x160xf32>
    %scan3A = arith.constant 0 : i32
    %scan3A_2 = arith.constant 160 : i32
    %scan3A_3 = arith.addi %scan3A, %scan3A_2 : i32
    %scan3A_4 = arith.constant 1 : i32
    scf.for %scan3A_1531 = %scan3A to %scan3A_3 step %scan3A_4  : i32 {
      %get3A_1532 = arith.index_cast %scan3A_1531 : i32 to index
      %get3A_1533 = arith.constant 2 : index
      %get3A_1534 = memref.load %arg1[%get3A_1532, %get3A_1533] : memref<160x6xf32, #tpu.memory_space<smem>>
      %mul3A_1535 = arith.constant 1.600000e+01 : f32
      %mul3A_1536 = arith.mulf %get3A_1534, %mul3A_1535 : f32
      %convert_element_type3A_1537 = arith.fptosi %mul3A_1536 : f32 to i32
      %jit3A_1538 = arith.constant 0 : i32
      %jit3A_1539 = arith.constant 15 : i32
      %max3A_1540 = arith.maxsi %jit3A_1538, %convert_element_type3A_1537 : i32
      %min3A_1541 = arith.minsi %jit3A_1539, %max3A_1540 : i32
      %get3A_1542 = arith.index_cast %scan3A_1531 : i32 to index
      %get3A_1543 = arith.constant 3 : index
      %get3A_1544 = memref.load %arg1[%get3A_1542, %get3A_1543] : memref<160x6xf32, #tpu.memory_space<smem>>
      %mul3A_1545 = arith.constant 1.600000e+01 : f32
      %mul3A_1546 = arith.mulf %get3A_1544, %mul3A_1545 : f32
      %convert_element_type3A_1547 = arith.fptosi %mul3A_1546 : f32 to i32
      %jit3A_1548 = arith.constant 0 : i32
      %jit3A_1549 = arith.constant 15 : i32
      %max3A_1550 = arith.maxsi %jit3A_1548, %convert_element_type3A_1547 : i32
      %min3A_1551 = arith.minsi %jit3A_1549, %max3A_1550 : i32
      %mul3A_1552 = arith.constant 16 : i32
      %mul3A_1553 = arith.muli %min3A_1551, %mul3A_1552 : i32
      %add3A_1554 = arith.addi %mul3A_1553, %min3A_1541 : i32
      %add3A_1555 = arith.constant 0 : i32
      %add3A_1556 = arith.addi %add3A_1555, %add3A_1554 : i32
      %get3A_1557 = arith.index_cast %add3A_1556 : i32 to index
      %get3A_1558 = arith.constant 0 : index
      %get3A_1559 = vector.load %arg3[%get3A_1557, %get3A_1558] : memref<768x85xf32, #tpu.memory_space<vmem>>, vector<1x85xf32>
      %swap3A_1560 = arith.constant 0 : index
      %swap3A_1561 = arith.index_cast %scan3A_1531 : i32 to index
      %swap3A_1562 = arith.constant 0 : index
      %swap3A_1563 = vector.load %arg9[%swap3A_1560, %swap3A_1561, %swap3A_1562] : memref<3x160x85xf32, #tpu.memory_space<vmem>>, vector<1x1x85xf32>
      %swap3A_1564 = vector.shape_cast %swap3A_1563 : vector<1x1x85xf32> to vector<1x85xf32>
      %swap3A_1565 = vector.shape_cast %get3A_1559 : vector<1x85xf32> to vector<1x1x85xf32>
      tpu.vector_store %arg9[%swap3A_1560, %swap3A_1561, %swap3A_1562], %swap3A_1565 {strides = array<i32>} : memref<3x160x85xf32, #tpu.memory_space<vmem>>, vector<1x1x85xf32>,
      %add3A_1566 = arith.constant 256 : i32
      %add3A_1567 = arith.addi %add3A_1566, %add3A_1554 : i32
      %get3A_1568 = arith.index_cast %add3A_1567 : i32 to index
      %get3A_1569 = arith.constant 0 : index
      %get3A_1570 = vector.load %arg3[%get3A_1568, %get3A_1569] : memref<768x85xf32, #tpu.memory_space<vmem>>, vector<1x85xf32>
      %swap3A_1571 = arith.constant 1 : index
      %swap3A_1572 = arith.index_cast %scan3A_1531 : i32 to index
      %swap3A_1573 = arith.constant 0 : index
      %swap3A_1574 = vector.load %arg9[%swap3A_1571, %swap3A_1572, %swap3A_1573] : memref<3x160x85xf32, #tpu.memory_space<vmem>>, vector<1x1x85xf32>
      %swap3A_1575 = vector.shape_cast %swap3A_1574 : vector<1x1x85xf32> to vector<1x85xf32>
      %swap3A_1576 = vector.shape_cast %get3A_1570 : vector<1x85xf32> to vector<1x1x85xf32>
      tpu.vector_store %arg9[%swap3A_1571, %swap3A_1572, %swap3A_1573], %swap3A_1576 {strides = array<i32>} : memref<3x160x85xf32, #tpu.memory_space<vmem>>, vector<1x1x85xf32>,
      %add3A_1577 = arith.constant 512 : i32
      %add3A_1578 = arith.addi %add3A_1577, %add3A_1554 : i32
      %get3A_1579 = arith.index_cast %add3A_1578 : i32 to index
      %get3A_1580 = arith.constant 0 : index
      %get3A_1581 = vector.load %arg3[%get3A_1579, %get3A_1580] : memref<768x85xf32, #tpu.memory_space<vmem>>, vector<1x85xf32>
      %swap3A_1582 = arith.constant 2 : index
      %swap3A_1583 = arith.index_cast %scan3A_1531 : i32 to index
      %swap3A_1584 = arith.constant 0 : index
      %swap3A_1585 = vector.load %arg9[%swap3A_1582, %swap3A_1583, %swap3A_1584] : memref<3x160x85xf32, #tpu.memory_space<vmem>>, vector<1x1x85xf32>
      %swap3A_1586 = vector.shape_cast %swap3A_1585 : vector<1x1x85xf32> to vector<1x85xf32>
      %swap3A_1587 = vector.shape_cast %get3A_1581 : vector<1x85xf32> to vector<1x1x85xf32>
      tpu.vector_store %arg9[%swap3A_1582, %swap3A_1583, %swap3A_1584], %swap3A_1587 {strides = array<i32>} : memref<3x160x85xf32, #tpu.memory_space<vmem>>, vector<1x1x85xf32>,
    }
    %scan3A_5 = arith.constant 160 : i32
    %get3A_6 = arith.constant 0 : index
    %get3A_7 = arith.constant 0 : index
    %get3A_8 = arith.constant 0 : index
    %get3A_9 = vector.load %arg9[%get3A_6, %get3A_7, %get3A_8] : memref<3x160x85xf32, #tpu.memory_space<vmem>>, vector<3x160x85xf32>
    %slice3A = vector.extract_strided_slice %get3A_1 {offsets = [0, 2], sizes = [160, 1], strides = [1, 1]} : vector<160x6xf32> to vector<160x1xf32>
    %mul3A = arith.constant 1.600000e+01 : f32
    %mul3A_10 = vector.broadcast %mul3A : f32 to vector<160x1xf32>
    %mul3A_11 = arith.mulf %slice3A, %mul3A_10 : vector<160x1xf32>
    %slice3A_12 = vector.extract_strided_slice %get3A_1 {offsets = [0, 3], sizes = [160, 1], strides = [1, 1]} : vector<160x6xf32> to vector<160x1xf32>
    %mul3A_13 = arith.constant 1.600000e+01 : f32
    %mul3A_14 = vector.broadcast %mul3A_13 : f32 to vector<160x1xf32>
    %mul3A_15 = arith.mulf %slice3A_12, %mul3A_14 : vector<160x1xf32>
    %slice3A_16 = vector.extract_strided_slice %get3A_1 {offsets = [0, 4], sizes = [160, 1], strides = [1, 1]} : vector<160x6xf32> to vector<160x1xf32>
    %mul3A_17 = arith.constant 1.600000e+01 : f32
    %mul3A_18 = vector.broadcast %mul3A_17 : f32 to vector<160x1xf32>
    %mul3A_19 = arith.mulf %slice3A_16, %mul3A_18 : vector<160x1xf32>
    %slice3A_20 = vector.extract_strided_slice %get3A_1 {offsets = [0, 5], sizes = [160, 1], strides = [1, 1]} : vector<160x6xf32> to vector<160x1xf32>
    %mul3A_21 = arith.constant 1.600000e+01 : f32
    %mul3A_22 = vector.broadcast %mul3A_21 : f32 to vector<160x1xf32>
    %mul3A_23 = arith.mulf %slice3A_20, %mul3A_22 : vector<160x1xf32>
    %floor3A = math.floor %mul3A_11 : vector<160x1xf32>
    %jit3A = arith.constant 0.000000e+00 : f32
    %jit3A_24 = arith.constant 1.500000e+01 : f32
    %max3A = vector.broadcast %jit3A : f32 to vector<160x1xf32>
    %max3A_25 = arith.maximumf %max3A, %floor3A : vector<160x1xf32>
    %min3A = vector.broadcast %jit3A_24 : f32 to vector<160x1xf32>
    %min3A_26 = arith.minimumf %min3A, %max3A_25 : vector<160x1xf32>
    %floor3A_27 = math.floor %mul3A_15 : vector<160x1xf32>
    %jit3A_28 = arith.constant 0.000000e+00 : f32
    %jit3A_29 = arith.constant 1.500000e+01 : f32
    %max3A_30 = vector.broadcast %jit3A_28 : f32 to vector<160x1xf32>
    %max3A_31 = arith.maximumf %max3A_30, %floor3A_27 : vector<160x1xf32>
    %min3A_32 = vector.broadcast %jit3A_29 : f32 to vector<160x1xf32>
    %min3A_33 = arith.minimumf %min3A_32, %max3A_31 : vector<160x1xf32>
    %sub3A = arith.subf %mul3A_11, %min3A_26 : vector<160x1xf32>
    %reshape3A = vector.shape_cast %sub3A : vector<160x1xf32> to vector<1x160x1xf32>
    %sub3A_34 = arith.subf %mul3A_15, %min3A_33 : vector<160x1xf32>
    %reshape3A_35 = vector.shape_cast %sub3A_34 : vector<160x1xf32> to vector<1x160x1xf32>
    %reshape3A_36 = vector.shape_cast %mul3A_19 : vector<160x1xf32> to vector<1x160x1xf32>
    %reshape3A_37 = vector.shape_cast %mul3A_23 : vector<160x1xf32> to vector<1x160x1xf32>
    %iota3A = tpu.iota {dimensions = array<i32: 0>} : vector<3x1x1xi32>
    %eq3A = arith.constant 0 : i32
    %eq3A_38 = vector.broadcast %eq3A : i32 to vector<3x1x1xi32>
    %eq3A_39 = arith.cmpi eq, %iota3A, %eq3A_38 : vector<3x1x1xi32>
    %eq3A_40 = arith.constant 1 : i32
    %eq3A_41 = vector.broadcast %eq3A_40 : i32 to vector<3x1x1xi32>
    %eq3A_42 = arith.cmpi eq, %iota3A, %eq3A_41 : vector<3x1x1xi32>
    %jit3A_43 = arith.constant 4.875000e+00 : f32
    %jit3A_44 = arith.constant 11.65625 : f32
    %broadcast_in_dim3A = vector.broadcast %jit3A_43 : f32 to vector<3x1x1xf32>
    %broadcast_in_dim3A_45 = vector.broadcast %jit3A_44 : f32 to vector<3x1x1xf32>
    %select_n3A = arith.select %eq3A_42, %broadcast_in_dim3A, %broadcast_in_dim3A_45 : vector<3x1x1xi1>, vector<3x1x1xf32>
    %jit3A_46 = arith.constant 3.625000e+00 : f32
    %broadcast_in_dim3A_47 = vector.broadcast %jit3A_46 : f32 to vector<3x1x1xf32>
    %select_n3A_48 = arith.select %eq3A_39, %broadcast_in_dim3A_47, %select_n3A : vector<3x1x1xi1>, vector<3x1x1xf32>
    %eq3A_49 = arith.constant 0 : i32
    %eq3A_50 = vector.broadcast %eq3A_49 : i32 to vector<3x1x1xi32>
    %eq3A_51 = arith.cmpi eq, %iota3A, %eq3A_50 : vector<3x1x1xi32>
    %eq3A_52 = arith.constant 1 : i32
    %eq3A_53 = vector.broadcast %eq3A_52 : i32 to vector<3x1x1xi32>
    %eq3A_54 = arith.cmpi eq, %iota3A, %eq3A_53 : vector<3x1x1xi32>
    %jit3A_55 = arith.constant 6.187500e+00 : f32
    %jit3A_56 = arith.constant 1.018750e+01 : f32
    %broadcast_in_dim3A_57 = vector.broadcast %jit3A_55 : f32 to vector<3x1x1xf32>
    %broadcast_in_dim3A_58 = vector.broadcast %jit3A_56 : f32 to vector<3x1x1xf32>
    %select_n3A_59 = arith.select %eq3A_54, %broadcast_in_dim3A_57, %broadcast_in_dim3A_58 : vector<3x1x1xi1>, vector<3x1x1xf32>
    %jit3A_60 = arith.constant 2.812500e+00 : f32
    %broadcast_in_dim3A_61 = vector.broadcast %jit3A_60 : f32 to vector<3x1x1xf32>
    %select_n3A_62 = arith.select %eq3A_51, %broadcast_in_dim3A_61, %select_n3A_59 : vector<3x1x1xi1>, vector<3x1x1xf32>
    %div3A = vector.broadcast %reshape3A_36 : vector<1x160x1xf32> to vector<3x160x1xf32>
    %div3A_63 = vector.broadcast %select_n3A_48 : vector<3x1x1xf32> to vector<3x160x1xf32>
    %div3A_64 = arith.divf %div3A, %div3A_63 : vector<3x160x1xf32>
    %div3A_65 = vector.broadcast %reshape3A_37 : vector<1x160x1xf32> to vector<3x160x1xf32>
    %div3A_66 = vector.broadcast %select_n3A_62 : vector<3x1x1xf32> to vector<3x160x1xf32>
    %div3A_67 = arith.divf %div3A_65, %div3A_66 : vector<3x160x1xf32>
    %div3A_68 = arith.constant 1.000000e+00 : f32
    %div3A_69 = vector.broadcast %div3A_68 : f32 to vector<3x160x1xf32>
    %div3A_70 = arith.divf %div3A_69, %div3A_64 : vector<3x160x1xf32>
    %max3A_71 = arith.maximumf %div3A_64, %div3A_70 : vector<3x160x1xf32>
    %div3A_72 = arith.constant 1.000000e+00 : f32
    %div3A_73 = vector.broadcast %div3A_72 : f32 to vector<3x160x1xf32>
    %div3A_74 = arith.divf %div3A_73, %div3A_67 : vector<3x160x1xf32>
    %max3A_75 = arith.maximumf %div3A_67, %div3A_74 : vector<3x160x1xf32>
    %max3A_76 = arith.maximumf %max3A_71, %max3A_75 : vector<3x160x1xf32>
    %lt3A = arith.constant 4.000000e+00 : f32
    %lt3A_77 = vector.broadcast %lt3A : f32 to vector<3x160x1xf32>
    %lt3A_78 = arith.cmpf olt, %max3A_76, %lt3A_77 : vector<3x160x1xf32>
    %convert_element_type3A = arith.extui %lt3A_78 : vector<3x160x1xi1> to vector<3x160x1xi32>
    %convert_element_type3A_79 = arith.sitofp %convert_element_type3A : vector<3x160x1xi32> to vector<3x160x1xf32>
    %reduce_sum3A = vector.shape_cast %convert_element_type3A_79 : vector<3x160x1xf32> to vector<1x3x160x1xf32>
    %reduce_sum3A_80 = arith.constant dense<0.000000e+00> : vector<1xf32>
    %reduce_sum3A_81 = vector.multi_reduction <add>, %reduce_sum3A, %reduce_sum3A_80 [1, 2, 3] : vector<1x3x160x1xf32> to vector<1xf32>
    %reduce_sum3A_82 = vector.shape_cast %reduce_sum3A_81 : vector<1xf32> to vector<1x1x1x1xf32>
    %reduce_sum3A_83 = vector.extract %reduce_sum3A_82[0, 0, 0, 0] : f32 from vector<1x1x1x1xf32>
    %max3A_84 = arith.constant 1.000000e+00 : f32
    %max3A_85 = arith.maximumf %reduce_sum3A_83, %max3A_84 : f32
    %slice3A_86 = vector.extract_strided_slice %get3A_9 {offsets = [0, 0, 0], sizes = [3, 160, 1], strides = [1, 1, 1]} : vector<3x160x85xf32> to vector<3x160x1xf32>
    %logistic3A = arith.negf %slice3A_86 : vector<3x160x1xf32>
    %logistic3A_87 = math.exp %logistic3A : vector<3x160x1xf32>
    %logistic3A_88 = arith.constant 1.000000e+00 : f32
    %logistic3A_89 = vector.broadcast %logistic3A_88 : f32 to vector<3x160x1xf32>
    %logistic3A_90 = arith.addf %logistic3A_89, %logistic3A_87 : vector<3x160x1xf32>
    %logistic3A_91 = arith.divf %logistic3A_89, %logistic3A_90 : vector<3x160x1xf32>
    %slice3A_92 = vector.extract_strided_slice %get3A_9 {offsets = [0, 0, 1], sizes = [3, 160, 1], strides = [1, 1, 1]} : vector<3x160x85xf32> to vector<3x160x1xf32>
    %logistic3A_93 = arith.negf %slice3A_92 : vector<3x160x1xf32>
    %logistic3A_94 = math.exp %logistic3A_93 : vector<3x160x1xf32>
    %logistic3A_95 = arith.constant 1.000000e+00 : f32
    %logistic3A_96 = vector.broadcast %logistic3A_95 : f32 to vector<3x160x1xf32>
    %logistic3A_97 = arith.addf %logistic3A_96, %logistic3A_94 : vector<3x160x1xf32>
    %logistic3A_98 = arith.divf %logistic3A_96, %logistic3A_97 : vector<3x160x1xf32>
    %slice3A_99 = vector.extract_strided_slice %get3A_9 {offsets = [0, 0, 2], sizes = [3, 160, 1], strides = [1, 1, 1]} : vector<3x160x85xf32> to vector<3x160x1xf32>
    %exp3A = math.exp %slice3A_99 : vector<3x160x1xf32>
    %mul3A_100 = vector.broadcast %select_n3A_48 : vector<3x1x1xf32> to vector<3x160x1xf32>
    %mul3A_101 = arith.mulf %exp3A, %mul3A_100 : vector<3x160x1xf32>
    %slice3A_102 = vector.extract_strided_slice %get3A_9 {offsets = [0, 0, 3], sizes = [3, 160, 1], strides = [1, 1, 1]} : vector<3x160x85xf32> to vector<3x160x1xf32>
    %exp3A_103 = math.exp %slice3A_102 : vector<3x160x1xf32>
    %mul3A_104 = vector.broadcast %select_n3A_62 : vector<3x1x1xf32> to vector<3x160x1xf32>
    %mul3A_105 = arith.mulf %exp3A_103, %mul3A_104 : vector<3x160x1xf32>
    %div3A_106 = arith.constant 2.000000e+00 : f32
    %div3A_107 = vector.broadcast %div3A_106 : f32 to vector<3x160x1xf32>
    %div3A_108 = arith.divf %mul3A_101, %div3A_107 : vector<3x160x1xf32>
    %sub3A_109 = arith.subf %logistic3A_91, %div3A_108 : vector<3x160x1xf32>
    %div3A_110 = arith.constant 2.000000e+00 : f32
    %div3A_111 = vector.broadcast %div3A_110 : f32 to vector<3x160x1xf32>
    %div3A_112 = arith.divf %mul3A_101, %div3A_111 : vector<3x160x1xf32>
    %add3A = arith.addf %logistic3A_91, %div3A_112 : vector<3x160x1xf32>
    %div3A_113 = arith.constant 2.000000e+00 : f32
    %div3A_114 = vector.broadcast %div3A_113 : f32 to vector<3x160x1xf32>
    %div3A_115 = arith.divf %mul3A_105, %div3A_114 : vector<3x160x1xf32>
    %sub3A_116 = arith.subf %logistic3A_98, %div3A_115 : vector<3x160x1xf32>
    %div3A_117 = arith.constant 2.000000e+00 : f32
    %div3A_118 = vector.broadcast %div3A_117 : f32 to vector<3x160x1xf32>
    %div3A_119 = arith.divf %mul3A_105, %div3A_118 : vector<3x160x1xf32>
    %add3A_120 = arith.addf %logistic3A_98, %div3A_119 : vector<3x160x1xf32>
    %div3A_121 = arith.constant 2.000000e+00 : f32
    %div3A_122 = vector.broadcast %div3A_121 : f32 to vector<1x160x1xf32>
    %div3A_123 = arith.divf %reshape3A_36, %div3A_122 : vector<1x160x1xf32>
    %sub3A_124 = arith.subf %reshape3A, %div3A_123 : vector<1x160x1xf32>
    %div3A_125 = arith.constant 2.000000e+00 : f32
    %div3A_126 = vector.broadcast %div3A_125 : f32 to vector<1x160x1xf32>
    %div3A_127 = arith.divf %reshape3A_36, %div3A_126 : vector<1x160x1xf32>
    %add3A_128 = arith.addf %reshape3A, %div3A_127 : vector<1x160x1xf32>
    %div3A_129 = arith.constant 2.000000e+00 : f32
    %div3A_130 = vector.broadcast %div3A_129 : f32 to vector<1x160x1xf32>
    %div3A_131 = arith.divf %reshape3A_37, %div3A_130 : vector<1x160x1xf32>
    %sub3A_132 = arith.subf %reshape3A_35, %div3A_131 : vector<1x160x1xf32>
    %div3A_133 = arith.constant 2.000000e+00 : f32
    %div3A_134 = vector.broadcast %div3A_133 : f32 to vector<1x160x1xf32>
    %div3A_135 = arith.divf %reshape3A_37, %div3A_134 : vector<1x160x1xf32>
    %add3A_136 = arith.addf %reshape3A_35, %div3A_135 : vector<1x160x1xf32>
    %min3A_137 = vector.broadcast %add3A_128 : vector<1x160x1xf32> to vector<3x160x1xf32>
    %min3A_138 = arith.minimumf %add3A, %min3A_137 : vector<3x160x1xf32>
    %max3A_139 = vector.broadcast %sub3A_124 : vector<1x160x1xf32> to vector<3x160x1xf32>
    %max3A_140 = arith.maximumf %sub3A_109, %max3A_139 : vector<3x160x1xf32>
    %sub3A_141 = arith.subf %min3A_138, %max3A_140 : vector<3x160x1xf32>
    %jit3A_142 = arith.constant 0 : i32
    %convert_element_type3A_143 = arith.sitofp %jit3A_142 : i32 to f32
    %max3A_144 = vector.broadcast %convert_element_type3A_143 : f32 to vector<3x160x1xf32>
    %max3A_145 = arith.maximumf %max3A_144, %sub3A_141 : vector<3x160x1xf32>
    %min3A_146 = vector.broadcast %add3A_136 : vector<1x160x1xf32> to vector<3x160x1xf32>
    %min3A_147 = arith.minimumf %add3A_120, %min3A_146 : vector<3x160x1xf32>
    %max3A_148 = vector.broadcast %sub3A_132 : vector<1x160x1xf32> to vector<3x160x1xf32>
    %max3A_149 = arith.maximumf %sub3A_116, %max3A_148 : vector<3x160x1xf32>
    %sub3A_150 = arith.subf %min3A_147, %max3A_149 : vector<3x160x1xf32>
    %jit3A_151 = arith.constant 0 : i32
    %convert_element_type3A_152 = arith.sitofp %jit3A_151 : i32 to f32
    %max3A_153 = vector.broadcast %convert_element_type3A_152 : f32 to vector<3x160x1xf32>
    %max3A_154 = arith.maximumf %max3A_153, %sub3A_150 : vector<3x160x1xf32>
    %mul3A_155 = arith.mulf %max3A_145, %max3A_154 : vector<3x160x1xf32>
    %sub3A_156 = arith.subf %add3A, %sub3A_109 : vector<3x160x1xf32>
    %sub3A_157 = arith.subf %add3A_120, %sub3A_116 : vector<3x160x1xf32>
    %add3A_158 = arith.constant 9.99999971E-10 : f32
    %add3A_159 = vector.broadcast %add3A_158 : f32 to vector<3x160x1xf32>
    %add3A_160 = arith.addf %sub3A_157, %add3A_159 : vector<3x160x1xf32>
    %sub3A_161 = arith.subf %add3A_128, %sub3A_124 : vector<1x160x1xf32>
    %sub3A_162 = arith.subf %add3A_136, %sub3A_132 : vector<1x160x1xf32>
    %add3A_163 = arith.constant 9.99999971E-10 : f32
    %add3A_164 = vector.broadcast %add3A_163 : f32 to vector<1x160x1xf32>
    %add3A_165 = arith.addf %sub3A_162, %add3A_164 : vector<1x160x1xf32>
    %mul3A_166 = arith.mulf %sub3A_156, %add3A_160 : vector<3x160x1xf32>
    %mul3A_167 = arith.mulf %sub3A_161, %add3A_165 : vector<1x160x1xf32>
    %add3A_168 = vector.broadcast %mul3A_167 : vector<1x160x1xf32> to vector<3x160x1xf32>
    %add3A_169 = arith.addf %mul3A_166, %add3A_168 : vector<3x160x1xf32>
    %sub3A_170 = arith.subf %add3A_169, %mul3A_155 : vector<3x160x1xf32>
    %add3A_171 = arith.constant 9.99999971E-10 : f32
    %add3A_172 = vector.broadcast %add3A_171 : f32 to vector<3x160x1xf32>
    %add3A_173 = arith.addf %sub3A_170, %add3A_172 : vector<3x160x1xf32>
    %div3A_174 = arith.divf %mul3A_155, %add3A_173 : vector<3x160x1xf32>
    %max3A_175 = vector.broadcast %add3A_128 : vector<1x160x1xf32> to vector<3x160x1xf32>
    %max3A_176 = arith.maximumf %add3A, %max3A_175 : vector<3x160x1xf32>
    %min3A_177 = vector.broadcast %sub3A_124 : vector<1x160x1xf32> to vector<3x160x1xf32>
    %min3A_178 = arith.minimumf %sub3A_109, %min3A_177 : vector<3x160x1xf32>
    %sub3A_179 = arith.subf %max3A_176, %min3A_178 : vector<3x160x1xf32>
    %max3A_180 = vector.broadcast %add3A_136 : vector<1x160x1xf32> to vector<3x160x1xf32>
    %max3A_181 = arith.maximumf %add3A_120, %max3A_180 : vector<3x160x1xf32>
    %min3A_182 = vector.broadcast %sub3A_132 : vector<1x160x1xf32> to vector<3x160x1xf32>
    %min3A_183 = arith.minimumf %sub3A_116, %min3A_182 : vector<3x160x1xf32>
    %sub3A_184 = arith.subf %max3A_181, %min3A_183 : vector<3x160x1xf32>
    %integer_pow3A = arith.mulf %sub3A_179, %sub3A_179 : vector<3x160x1xf32>
    %integer_pow3A_185 = arith.mulf %sub3A_184, %sub3A_184 : vector<3x160x1xf32>
    %add3A_186 = arith.addf %integer_pow3A, %integer_pow3A_185 : vector<3x160x1xf32>
    %add3A_187 = arith.constant 9.99999971E-10 : f32
    %add3A_188 = vector.broadcast %add3A_187 : f32 to vector<3x160x1xf32>
    %add3A_189 = arith.addf %add3A_186, %add3A_188 : vector<3x160x1xf32>
    %add3A_190 = arith.addf %sub3A_124, %add3A_128 : vector<1x160x1xf32>
    %sub3A_191 = vector.broadcast %add3A_190 : vector<1x160x1xf32> to vector<3x160x1xf32>
    %sub3A_192 = arith.subf %sub3A_191, %sub3A_109 : vector<3x160x1xf32>
    %sub3A_193 = arith.subf %sub3A_192, %add3A : vector<3x160x1xf32>
    %integer_pow3A_194 = arith.mulf %sub3A_193, %sub3A_193 : vector<3x160x1xf32>
    %add3A_195 = arith.addf %sub3A_132, %add3A_136 : vector<1x160x1xf32>
    %sub3A_196 = vector.broadcast %add3A_195 : vector<1x160x1xf32> to vector<3x160x1xf32>
    %sub3A_197 = arith.subf %sub3A_196, %sub3A_116 : vector<3x160x1xf32>
    %sub3A_198 = arith.subf %sub3A_197, %add3A_120 : vector<3x160x1xf32>
    %integer_pow3A_199 = arith.mulf %sub3A_198, %sub3A_198 : vector<3x160x1xf32>
    %add3A_200 = arith.addf %integer_pow3A_194, %integer_pow3A_199 : vector<3x160x1xf32>
    %div3A_201 = arith.constant 4.000000e+00 : f32
    %div3A_202 = vector.broadcast %div3A_201 : f32 to vector<3x160x1xf32>
    %div3A_203 = arith.divf %add3A_200, %div3A_202 : vector<3x160x1xf32>
    %div3A_204 = arith.divf %sub3A_161, %add3A_165 : vector<1x160x1xf32>
    %atan23A = arith.constant 1.000000e+00 : f32
    %atan23A_205 = vector.broadcast %atan23A : f32 to vector<1x160x1xf32>
    %atan23A_206 = math.atan2 %div3A_204, %atan23A_205 : vector<1x160x1xf32>
    %div3A_207 = arith.divf %sub3A_156, %add3A_160 : vector<3x160x1xf32>
    %atan23A_208 = arith.constant 1.000000e+00 : f32
    %atan23A_209 = vector.broadcast %atan23A_208 : f32 to vector<3x160x1xf32>
    %atan23A_210 = math.atan2 %div3A_207, %atan23A_209 : vector<3x160x1xf32>
    %sub3A_211 = vector.broadcast %atan23A_206 : vector<1x160x1xf32> to vector<3x160x1xf32>
    %sub3A_212 = arith.subf %sub3A_211, %atan23A_210 : vector<3x160x1xf32>
    %integer_pow3A_213 = arith.mulf %sub3A_212, %sub3A_212 : vector<3x160x1xf32>
    %mul3A_214 = arith.constant 0.405284733 : f32
    %mul3A_215 = vector.broadcast %mul3A_214 : f32 to vector<3x160x1xf32>
    %mul3A_216 = arith.mulf %mul3A_215, %integer_pow3A_213 : vector<3x160x1xf32>
    %sub3A_217 = arith.constant 1.000000e+00 : f32
    %sub3A_218 = vector.broadcast %sub3A_217 : f32 to vector<3x160x1xf32>
    %sub3A_219 = arith.subf %sub3A_218, %div3A_174 : vector<3x160x1xf32>
    %add3A_220 = arith.addf %sub3A_219, %mul3A_216 : vector<3x160x1xf32>
    %div3A_221 = arith.divf %mul3A_216, %add3A_220 : vector<3x160x1xf32>
    %div3A_222 = arith.divf %div3A_203, %add3A_189 : vector<3x160x1xf32>
    %mul3A_223 = arith.mulf %mul3A_216, %div3A_221 : vector<3x160x1xf32>
    %add3A_224 = arith.addf %div3A_222, %mul3A_223 : vector<3x160x1xf32>
    %sub3A_225 = arith.subf %div3A_174, %add3A_224 : vector<3x160x1xf32>
    %sub3A_226 = arith.constant 1.000000e+00 : f32
    %sub3A_227 = vector.broadcast %sub3A_226 : f32 to vector<3x160x1xf32>
    %sub3A_228 = arith.subf %sub3A_227, %sub3A_225 : vector<3x160x1xf32>
    %mul3A_229 = arith.mulf %sub3A_228, %convert_element_type3A_79 : vector<3x160x1xf32>
    %reduce_sum3A_230 = vector.shape_cast %mul3A_229 : vector<3x160x1xf32> to vector<1x3x160x1xf32>
    %reduce_sum3A_231 = arith.constant dense<0.000000e+00> : vector<1xf32>
    %reduce_sum3A_232 = vector.multi_reduction <add>, %reduce_sum3A_230, %reduce_sum3A_231 [1, 2, 3] : vector<1x3x160x1xf32> to vector<1xf32>
    %reduce_sum3A_233 = vector.shape_cast %reduce_sum3A_232 : vector<1xf32> to vector<1x1x1x1xf32>
    %reduce_sum3A_234 = vector.extract %reduce_sum3A_233[0, 0, 0, 0] : f32 from vector<1x1x1x1xf32>
    %div3A_235 = arith.divf %reduce_sum3A_234, %max3A_85 : f32
    %add3A_236 = arith.constant 0.000000e+00 : f32
    %add3A_237 = arith.addf %add3A_236, %div3A_235 : f32
    %slice3A_238 = vector.extract_strided_slice %get3A_1 {offsets = [0, 1], sizes = [160, 1], strides = [1, 1]} : vector<160x6xf32> to vector<160x1xf32>
    %convert_element_type3A_239 = arith.fptosi %slice3A_238 : vector<160x1xf32> to vector<160x1xi32>
    %reshape3A_240 = vector.shape_cast %convert_element_type3A_239 : vector<160x1xi32> to vector<1x160x1xi32>
    %iota3A_241 = tpu.iota {dimensions = array<i32: 2>} : vector<1x160x80xi32>
    %eq3A_242 = vector.broadcast %reshape3A_240 : vector<1x160x1xi32> to vector<1x160x80xi32>
    %eq3A_243 = arith.cmpi eq, %iota3A_241, %eq3A_242 : vector<1x160x80xi32>
    %convert_element_type3A_244 = arith.extui %eq3A_243 : vector<1x160x80xi1> to vector<1x160x80xi32>
    %convert_element_type3A_245 = arith.sitofp %convert_element_type3A_244 : vector<1x160x80xi32> to vector<1x160x80xf32>
    %slice3A_246 = vector.extract_strided_slice %get3A_9 {offsets = [0, 0, 5], sizes = [3, 160, 80], strides = [1, 1, 1]} : vector<3x160x85xf32> to vector<3x160x80xf32>
    %max3A_247 = arith.constant 0.000000e+00 : f32
    %max3A_248 = vector.broadcast %max3A_247 : f32 to vector<3x160x80xf32>
    %max3A_249 = arith.maximumf %slice3A_246, %max3A_248 : vector<3x160x80xf32>
    %abs3A = math.absf %slice3A_246 : vector<3x160x80xf32>
    %neg3A = arith.constant 0.000000e+00 : f32
    %neg3A_250 = vector.broadcast %neg3A : f32 to vector<3x160x80xf32>
    %neg3A_251 = arith.subf %neg3A_250, %abs3A : vector<3x160x80xf32>
    %exp3A_252 = math.exp %neg3A_251 : vector<3x160x80xf32>
    %log1p3A = math.log1p %exp3A_252 : vector<3x160x80xf32>
    %add3A_253 = arith.addf %max3A_249, %log1p3A : vector<3x160x80xf32>
    %reduce_sum3A_254 = arith.constant dense<0.000000e+00> : vector<3x160xf32>
    %reduce_sum3A_255 = vector.multi_reduction <add>, %add3A_253, %reduce_sum3A_254 [2] : vector<3x160x80xf32> to vector<3x160xf32>
    %broadcast_in_dim3A_256 = vector.shape_cast %reduce_sum3A_255 : vector<3x160xf32> to vector<3x160x1xf32>
    %mul3A_257 = vector.broadcast %convert_element_type3A_245 : vector<1x160x80xf32> to vector<3x160x80xf32>
    %mul3A_258 = arith.mulf %slice3A_246, %mul3A_257 : vector<3x160x80xf32>
    %reduce_sum3A_259 = arith.constant dense<0.000000e+00> : vector<3x160xf32>
    %reduce_sum3A_260 = vector.multi_reduction <add>, %mul3A_258, %reduce_sum3A_259 [2] : vector<3x160x80xf32> to vector<3x160xf32>
    %broadcast_in_dim3A_261 = vector.shape_cast %reduce_sum3A_260 : vector<3x160xf32> to vector<3x160x1xf32>
    %sub3A_262 = arith.subf %broadcast_in_dim3A_256, %broadcast_in_dim3A_261 : vector<3x160x1xf32>
    %mul3A_263 = arith.mulf %convert_element_type3A_79, %sub3A_262 : vector<3x160x1xf32>
    %reduce_sum3A_264 = vector.shape_cast %mul3A_263 : vector<3x160x1xf32> to vector<1x3x160x1xf32>
    %reduce_sum3A_265 = arith.constant dense<0.000000e+00> : vector<1xf32>
    %reduce_sum3A_266 = vector.multi_reduction <add>, %reduce_sum3A_264, %reduce_sum3A_265 [1, 2, 3] : vector<1x3x160x1xf32> to vector<1xf32>
    %reduce_sum3A_267 = vector.shape_cast %reduce_sum3A_266 : vector<1xf32> to vector<1x1x1x1xf32>
    %reduce_sum3A_268 = vector.extract %reduce_sum3A_267[0, 0, 0, 0] : f32 from vector<1x1x1x1xf32>
    %mul3A_269 = arith.constant 8.000000e+01 : f32
    %mul3A_270 = arith.mulf %max3A_85, %mul3A_269 : f32
    %div3A_271 = arith.divf %reduce_sum3A_268, %mul3A_270 : f32
    %add3A_272 = arith.constant 0.000000e+00 : f32
    %add3A_273 = arith.addf %add3A_272, %div3A_271 : f32
    %mul3A_274 = arith.constant 1.600000e+01 : f32
    %mul3A_275 = vector.broadcast %mul3A_274 : f32 to vector<160x1xf32>
    %mul3A_276 = arith.mulf %min3A_33, %mul3A_275 : vector<160x1xf32>
    %add3A_277 = arith.addf %mul3A_276, %min3A_26 : vector<160x1xf32>
    %slice3A_278 = vector.extract_strided_slice %transpose3A {offsets = [2, 0], sizes = [1, 160], strides = [1, 1]} : vector<6x160xf32> to vector<1x160xf32>
    %mul3A_279 = arith.constant 1.600000e+01 : f32
    %mul3A_280 = vector.broadcast %mul3A_279 : f32 to vector<1x160xf32>
    %mul3A_281 = arith.mulf %slice3A_278, %mul3A_280 : vector<1x160xf32>
    %slice3A_282 = vector.extract_strided_slice %transpose3A {offsets = [3, 0], sizes = [1, 160], strides = [1, 1]} : vector<6x160xf32> to vector<1x160xf32>
    %mul3A_283 = arith.constant 1.600000e+01 : f32
    %mul3A_284 = vector.broadcast %mul3A_283 : f32 to vector<1x160xf32>
    %mul3A_285 = arith.mulf %slice3A_282, %mul3A_284 : vector<1x160xf32>
    %floor3A_286 = math.floor %mul3A_285 : vector<1x160xf32>
    %jit3A_287 = arith.constant 0.000000e+00 : f32
    %jit3A_288 = arith.constant 1.500000e+01 : f32
    %max3A_289 = vector.broadcast %jit3A_287 : f32 to vector<1x160xf32>
    %max3A_290 = arith.maximumf %max3A_289, %floor3A_286 : vector<1x160xf32>
    %min3A_291 = vector.broadcast %jit3A_288 : f32 to vector<1x160xf32>
    %min3A_292 = arith.minimumf %min3A_291, %max3A_290 : vector<1x160xf32>
    %mul3A_293 = arith.constant 1.600000e+01 : f32
    %mul3A_294 = vector.broadcast %mul3A_293 : f32 to vector<1x160xf32>
    %mul3A_295 = arith.mulf %min3A_292, %mul3A_294 : vector<1x160xf32>
    %floor3A_296 = math.floor %mul3A_281 : vector<1x160xf32>
    %jit3A_297 = arith.constant 0.000000e+00 : f32
    %jit3A_298 = arith.constant 1.500000e+01 : f32
    %max3A_299 = vector.broadcast %jit3A_297 : f32 to vector<1x160xf32>
    %max3A_300 = arith.maximumf %max3A_299, %floor3A_296 : vector<1x160xf32>
    %min3A_301 = vector.broadcast %jit3A_298 : f32 to vector<1x160xf32>
    %min3A_302 = arith.minimumf %min3A_301, %max3A_300 : vector<1x160xf32>
    %add3A_303 = arith.addf %mul3A_295, %min3A_302 : vector<1x160xf32>
    %slice3A_304 = vector.extract_strided_slice %transpose3A {offsets = [4, 0], sizes = [1, 160], strides = [1, 1]} : vector<6x160xf32> to vector<1x160xf32>
    %mul3A_305 = arith.constant 1.600000e+01 : f32
    %mul3A_306 = vector.broadcast %mul3A_305 : f32 to vector<1x160xf32>
    %mul3A_307 = arith.mulf %slice3A_304, %mul3A_306 : vector<1x160xf32>
    %slice3A_308 = vector.extract_strided_slice %transpose3A {offsets = [5, 0], sizes = [1, 160], strides = [1, 1]} : vector<6x160xf32> to vector<1x160xf32>
    %mul3A_309 = arith.constant 1.600000e+01 : f32
    %mul3A_310 = vector.broadcast %mul3A_309 : f32 to vector<1x160xf32>
    %mul3A_311 = arith.mulf %slice3A_308, %mul3A_310 : vector<1x160xf32>
    %eq3A_312 = vector.broadcast %add3A_277 : vector<160x1xf32> to vector<160x160xf32>
    %eq3A_313 = vector.broadcast %add3A_303 : vector<1x160xf32> to vector<160x160xf32>
    %eq3A_314 = arith.cmpf oeq, %eq3A_312, %eq3A_313 : vector<160x160xf32>
    %convert_element_type3A_315 = arith.extui %eq3A_314 : vector<160x160xi1> to vector<160x160xi32>
    %convert_element_type3A_316 = arith.sitofp %convert_element_type3A_315 : vector<160x160xi32> to vector<160x160xf32>
    %iota3A_317 = tpu.iota {dimensions = array<i32: 0>} : vector<160x160xi32>
    %iota3A_318 = tpu.iota {dimensions = array<i32: 1>} : vector<160x160xi32>
    %gt3A = arith.cmpi sgt, %iota3A_318, %iota3A_317 : vector<160x160xi32>
    %convert_element_type3A_319 = arith.extui %gt3A : vector<160x160xi1> to vector<160x160xi32>
    %convert_element_type3A_320 = arith.sitofp %convert_element_type3A_319 : vector<160x160xi32> to vector<160x160xf32>
    %div3A_321 = arith.constant 3.625000e+00 : f32
    %div3A_322 = vector.broadcast %div3A_321 : f32 to vector<1x160xf32>
    %div3A_323 = arith.divf %mul3A_307, %div3A_322 : vector<1x160xf32>
    %div3A_324 = arith.constant 2.812500e+00 : f32
    %div3A_325 = vector.broadcast %div3A_324 : f32 to vector<1x160xf32>
    %div3A_326 = arith.divf %mul3A_311, %div3A_325 : vector<1x160xf32>
    %div3A_327 = arith.constant 1.000000e+00 : f32
    %div3A_328 = vector.broadcast %div3A_327 : f32 to vector<1x160xf32>
    %div3A_329 = arith.divf %div3A_328, %div3A_323 : vector<1x160xf32>
    %max3A_330 = arith.maximumf %div3A_323, %div3A_329 : vector<1x160xf32>
    %div3A_331 = arith.constant 1.000000e+00 : f32
    %div3A_332 = vector.broadcast %div3A_331 : f32 to vector<1x160xf32>
    %div3A_333 = arith.divf %div3A_332, %div3A_326 : vector<1x160xf32>
    %max3A_334 = arith.maximumf %div3A_326, %div3A_333 : vector<1x160xf32>
    %max3A_335 = arith.maximumf %max3A_330, %max3A_334 : vector<1x160xf32>
    %lt3A_336 = arith.constant 4.000000e+00 : f32
    %lt3A_337 = vector.broadcast %lt3A_336 : f32 to vector<1x160xf32>
    %lt3A_338 = arith.cmpf olt, %max3A_335, %lt3A_337 : vector<1x160xf32>
    %convert_element_type3A_339 = arith.extui %lt3A_338 : vector<1x160xi1> to vector<1x160xi32>
    %convert_element_type3A_340 = arith.sitofp %convert_element_type3A_339 : vector<1x160xi32> to vector<1x160xf32>
    %mul3A_341 = arith.mulf %convert_element_type3A_316, %convert_element_type3A_320 : vector<160x160xf32>
    %mul3A_342 = vector.broadcast %convert_element_type3A_340 : vector<1x160xf32> to vector<160x160xf32>
    %mul3A_343 = arith.mulf %mul3A_341, %mul3A_342 : vector<160x160xf32>
    %reduce_max3A = arith.constant dense<0xFF800000> : vector<160xf32>
    %reduce_max3A_344 = vector.multi_reduction <maximumf>, %mul3A_343, %reduce_max3A [1] : vector<160x160xf32> to vector<160xf32>
    %broadcast_in_dim3A_345 = vector.shape_cast %reduce_max3A_344 : vector<160xf32> to vector<160x1xf32>
    %slice3A_346 = vector.extract_strided_slice %convert_element_type3A_79 {offsets = [0, 0, 0], sizes = [1, 160, 1], strides = [1, 1, 1]} : vector<3x160x1xf32> to vector<1x160x1xf32>
    %reshape3A_347 = vector.shape_cast %slice3A_346 : vector<1x160x1xf32> to vector<160x1xf32>
    %sub3A_348 = arith.constant 1.000000e+00 : f32
    %sub3A_349 = vector.broadcast %sub3A_348 : f32 to vector<160x1xf32>
    %sub3A_350 = arith.subf %sub3A_349, %broadcast_in_dim3A_345 : vector<160x1xf32>
    %mul3A_351 = arith.mulf %reshape3A_347, %sub3A_350 : vector<160x1xf32>
    %slice3A_352 = vector.extract_strided_slice %get3A_9 {offsets = [0, 0, 4], sizes = [1, 160, 1], strides = [1, 1, 1]} : vector<3x160x85xf32> to vector<1x160x1xf32>
    %reshape3A_353 = vector.shape_cast %slice3A_352 : vector<1x160x1xf32> to vector<160x1xf32>
    %slice3A_354 = vector.extract_strided_slice %sub3A_225 {offsets = [0, 0, 0], sizes = [1, 160, 1], strides = [1, 1, 1]} : vector<3x160x1xf32> to vector<1x160x1xf32>
    %reshape3A_355 = vector.shape_cast %slice3A_354 : vector<1x160x1xf32> to vector<160x1xf32>
    %max3A_356 = arith.constant 0.000000e+00 : f32
    %max3A_357 = vector.broadcast %max3A_356 : f32 to vector<160x1xf32>
    %max3A_358 = arith.maximumf %reshape3A_355, %max3A_357 : vector<160x1xf32>
    %mul3A_359 = arith.mulf %mul3A_351, %reshape3A_353 : vector<160x1xf32>
    %mul3A_360 = arith.mulf %mul3A_359, %max3A_358 : vector<160x1xf32>
    %reduce_sum3A_361 = vector.shape_cast %mul3A_360 : vector<160x1xf32> to vector<1x160x1xf32>
    %reduce_sum3A_362 = arith.constant dense<0.000000e+00> : vector<1xf32>
    %reduce_sum3A_363 = vector.multi_reduction <add>, %reduce_sum3A_361, %reduce_sum3A_362 [1, 2] : vector<1x160x1xf32> to vector<1xf32>
    %reduce_sum3A_364 = vector.shape_cast %reduce_sum3A_363 : vector<1xf32> to vector<1x1x1xf32>
    %reduce_sum3A_365 = vector.extract %reduce_sum3A_364[0, 0, 0] : f32 from vector<1x1x1xf32>
    %add3A_366 = arith.constant 0.000000e+00 : f32
    %add3A_367 = arith.addf %add3A_366, %reduce_sum3A_365 : f32
    %div3A_368 = arith.constant 4.875000e+00 : f32
    %div3A_369 = vector.broadcast %div3A_368 : f32 to vector<1x160xf32>
    %div3A_370 = arith.divf %mul3A_307, %div3A_369 : vector<1x160xf32>
    %div3A_371 = arith.constant 6.187500e+00 : f32
    %div3A_372 = vector.broadcast %div3A_371 : f32 to vector<1x160xf32>
    %div3A_373 = arith.divf %mul3A_311, %div3A_372 : vector<1x160xf32>
    %div3A_374 = arith.constant 1.000000e+00 : f32
    %div3A_375 = vector.broadcast %div3A_374 : f32 to vector<1x160xf32>
    %div3A_376 = arith.divf %div3A_375, %div3A_370 : vector<1x160xf32>
    %max3A_377 = arith.maximumf %div3A_370, %div3A_376 : vector<1x160xf32>
    %div3A_378 = arith.constant 1.000000e+00 : f32
    %div3A_379 = vector.broadcast %div3A_378 : f32 to vector<1x160xf32>
    %div3A_380 = arith.divf %div3A_379, %div3A_373 : vector<1x160xf32>
    %max3A_381 = arith.maximumf %div3A_373, %div3A_380 : vector<1x160xf32>
    %max3A_382 = arith.maximumf %max3A_377, %max3A_381 : vector<1x160xf32>
    %lt3A_383 = arith.constant 4.000000e+00 : f32
    %lt3A_384 = vector.broadcast %lt3A_383 : f32 to vector<1x160xf32>
    %lt3A_385 = arith.cmpf olt, %max3A_382, %lt3A_384 : vector<1x160xf32>
    %convert_element_type3A_386 = arith.extui %lt3A_385 : vector<1x160xi1> to vector<1x160xi32>
    %convert_element_type3A_387 = arith.sitofp %convert_element_type3A_386 : vector<1x160xi32> to vector<1x160xf32>
    %mul3A_388 = arith.mulf %convert_element_type3A_316, %convert_element_type3A_320 : vector<160x160xf32>
    %mul3A_389 = vector.broadcast %convert_element_type3A_387 : vector<1x160xf32> to vector<160x160xf32>
    %mul3A_390 = arith.mulf %mul3A_388, %mul3A_389 : vector<160x160xf32>
    %reduce_max3A_391 = arith.constant dense<0xFF800000> : vector<160xf32>
    %reduce_max3A_392 = vector.multi_reduction <maximumf>, %mul3A_390, %reduce_max3A_391 [1] : vector<160x160xf32> to vector<160xf32>
    %broadcast_in_dim3A_393 = vector.shape_cast %reduce_max3A_392 : vector<160xf32> to vector<160x1xf32>
    %slice3A_394 = vector.extract_strided_slice %convert_element_type3A_79 {offsets = [1, 0, 0], sizes = [1, 160, 1], strides = [1, 1, 1]} : vector<3x160x1xf32> to vector<1x160x1xf32>
    %reshape3A_395 = vector.shape_cast %slice3A_394 : vector<1x160x1xf32> to vector<160x1xf32>
    %sub3A_396 = arith.constant 1.000000e+00 : f32
    %sub3A_397 = vector.broadcast %sub3A_396 : f32 to vector<160x1xf32>
    %sub3A_398 = arith.subf %sub3A_397, %broadcast_in_dim3A_393 : vector<160x1xf32>
    %mul3A_399 = arith.mulf %reshape3A_395, %sub3A_398 : vector<160x1xf32>
    %slice3A_400 = vector.extract_strided_slice %get3A_9 {offsets = [1, 0, 4], sizes = [1, 160, 1], strides = [1, 1, 1]} : vector<3x160x85xf32> to vector<1x160x1xf32>
    %reshape3A_401 = vector.shape_cast %slice3A_400 : vector<1x160x1xf32> to vector<160x1xf32>
    %slice3A_402 = vector.extract_strided_slice %sub3A_225 {offsets = [1, 0, 0], sizes = [1, 160, 1], strides = [1, 1, 1]} : vector<3x160x1xf32> to vector<1x160x1xf32>
    %reshape3A_403 = vector.shape_cast %slice3A_402 : vector<1x160x1xf32> to vector<160x1xf32>
    %max3A_404 = arith.constant 0.000000e+00 : f32
    %max3A_405 = vector.broadcast %max3A_404 : f32 to vector<160x1xf32>
    %max3A_406 = arith.maximumf %reshape3A_403, %max3A_405 : vector<160x1xf32>
    %mul3A_407 = arith.mulf %mul3A_399, %reshape3A_401 : vector<160x1xf32>
    %mul3A_408 = arith.mulf %mul3A_407, %max3A_406 : vector<160x1xf32>
    %reduce_sum3A_409 = vector.shape_cast %mul3A_408 : vector<160x1xf32> to vector<1x160x1xf32>
    %reduce_sum3A_410 = arith.constant dense<0.000000e+00> : vector<1xf32>
    %reduce_sum3A_411 = vector.multi_reduction <add>, %reduce_sum3A_409, %reduce_sum3A_410 [1, 2] : vector<1x160x1xf32> to vector<1xf32>
    %reduce_sum3A_412 = vector.shape_cast %reduce_sum3A_411 : vector<1xf32> to vector<1x1x1xf32>
    %reduce_sum3A_413 = vector.extract %reduce_sum3A_412[0, 0, 0] : f32 from vector<1x1x1xf32>
    %add3A_414 = arith.addf %add3A_367, %reduce_sum3A_413 : f32
    %div3A_415 = arith.constant 11.65625 : f32
    %div3A_416 = vector.broadcast %div3A_415 : f32 to vector<1x160xf32>
    %div3A_417 = arith.divf %mul3A_307, %div3A_416 : vector<1x160xf32>
    %div3A_418 = arith.constant 1.018750e+01 : f32
    %div3A_419 = vector.broadcast %div3A_418 : f32 to vector<1x160xf32>
    %div3A_420 = arith.divf %mul3A_311, %div3A_419 : vector<1x160xf32>
    %div3A_421 = arith.constant 1.000000e+00 : f32
    %div3A_422 = vector.broadcast %div3A_421 : f32 to vector<1x160xf32>
    %div3A_423 = arith.divf %div3A_422, %div3A_417 : vector<1x160xf32>
    %max3A_424 = arith.maximumf %div3A_417, %div3A_423 : vector<1x160xf32>
    %div3A_425 = arith.constant 1.000000e+00 : f32
    %div3A_426 = vector.broadcast %div3A_425 : f32 to vector<1x160xf32>
    %div3A_427 = arith.divf %div3A_426, %div3A_420 : vector<1x160xf32>
    %max3A_428 = arith.maximumf %div3A_420, %div3A_427 : vector<1x160xf32>
    %max3A_429 = arith.maximumf %max3A_424, %max3A_428 : vector<1x160xf32>
    %lt3A_430 = arith.constant 4.000000e+00 : f32
    %lt3A_431 = vector.broadcast %lt3A_430 : f32 to vector<1x160xf32>
    %lt3A_432 = arith.cmpf olt, %max3A_429, %lt3A_431 : vector<1x160xf32>
    %convert_element_type3A_433 = arith.extui %lt3A_432 : vector<1x160xi1> to vector<1x160xi32>
    %convert_element_type3A_434 = arith.sitofp %convert_element_type3A_433 : vector<1x160xi32> to vector<1x160xf32>
    %mul3A_435 = arith.mulf %convert_element_type3A_316, %convert_element_type3A_320 : vector<160x160xf32>
    %mul3A_436 = vector.broadcast %convert_element_type3A_434 : vector<1x160xf32> to vector<160x160xf32>
    %mul3A_437 = arith.mulf %mul3A_435, %mul3A_436 : vector<160x160xf32>
    %reduce_max3A_438 = arith.constant dense<0xFF800000> : vector<160xf32>
    %reduce_max3A_439 = vector.multi_reduction <maximumf>, %mul3A_437, %reduce_max3A_438 [1] : vector<160x160xf32> to vector<160xf32>
    %broadcast_in_dim3A_440 = vector.shape_cast %reduce_max3A_439 : vector<160xf32> to vector<160x1xf32>
    %slice3A_441 = vector.extract_strided_slice %convert_element_type3A_79 {offsets = [2, 0, 0], sizes = [1, 160, 1], strides = [1, 1, 1]} : vector<3x160x1xf32> to vector<1x160x1xf32>
    %reshape3A_442 = vector.shape_cast %slice3A_441 : vector<1x160x1xf32> to vector<160x1xf32>
    %sub3A_443 = arith.constant 1.000000e+00 : f32
    %sub3A_444 = vector.broadcast %sub3A_443 : f32 to vector<160x1xf32>
    %sub3A_445 = arith.subf %sub3A_444, %broadcast_in_dim3A_440 : vector<160x1xf32>
    %mul3A_446 = arith.mulf %reshape3A_442, %sub3A_445 : vector<160x1xf32>
    %slice3A_447 = vector.extract_strided_slice %get3A_9 {offsets = [2, 0, 4], sizes = [1, 160, 1], strides = [1, 1, 1]} : vector<3x160x85xf32> to vector<1x160x1xf32>
    %reshape3A_448 = vector.shape_cast %slice3A_447 : vector<1x160x1xf32> to vector<160x1xf32>
    %slice3A_449 = vector.extract_strided_slice %sub3A_225 {offsets = [2, 0, 0], sizes = [1, 160, 1], strides = [1, 1, 1]} : vector<3x160x1xf32> to vector<1x160x1xf32>
    %reshape3A_450 = vector.shape_cast %slice3A_449 : vector<1x160x1xf32> to vector<160x1xf32>
    %max3A_451 = arith.constant 0.000000e+00 : f32
    %max3A_452 = vector.broadcast %max3A_451 : f32 to vector<160x1xf32>
    %max3A_453 = arith.maximumf %reshape3A_450, %max3A_452 : vector<160x1xf32>
    %mul3A_454 = arith.mulf %mul3A_446, %reshape3A_448 : vector<160x1xf32>
    %mul3A_455 = arith.mulf %mul3A_454, %max3A_453 : vector<160x1xf32>
    %reduce_sum3A_456 = vector.shape_cast %mul3A_455 : vector<160x1xf32> to vector<1x160x1xf32>
    %reduce_sum3A_457 = arith.constant dense<0.000000e+00> : vector<1xf32>
    %reduce_sum3A_458 = vector.multi_reduction <add>, %reduce_sum3A_456, %reduce_sum3A_457 [1, 2] : vector<1x160x1xf32> to vector<1xf32>
    %reduce_sum3A_459 = vector.shape_cast %reduce_sum3A_458 : vector<1xf32> to vector<1x1x1xf32>
    %reduce_sum3A_460 = vector.extract %reduce_sum3A_459[0, 0, 0] : f32 from vector<1x1x1xf32>
    %add3A_461 = arith.addf %add3A_414, %reduce_sum3A_460 : f32
    %swap3A = arith.constant 2 : index
    %swap3A_462 = memref.load %arg10[%swap3A] : memref<8xf32, #tpu.memory_space<smem>>
    memref.store %add3A_461, %arg10[%swap3A] : memref<8xf32, #tpu.memory_space<smem>>
    %scan3A_463 = arith.constant 0 : i32
    %scan3A_464 = arith.constant 160 : i32
    %scan3A_465 = arith.addi %scan3A_463, %scan3A_464 : i32
    %scan3A_466 = arith.constant 1 : i32
    scf.for %scan3A_1531 = %scan3A_463 to %scan3A_465 step %scan3A_466  : i32 {
      %get3A_1532 = arith.index_cast %scan3A_1531 : i32 to index
      %get3A_1533 = arith.constant 2 : index
      %get3A_1534 = memref.load %arg1[%get3A_1532, %get3A_1533] : memref<160x6xf32, #tpu.memory_space<smem>>
      %mul3A_1535 = arith.constant 3.200000e+01 : f32
      %mul3A_1536 = arith.mulf %get3A_1534, %mul3A_1535 : f32
      %convert_element_type3A_1537 = arith.fptosi %mul3A_1536 : f32 to i32
      %jit3A_1538 = arith.constant 0 : i32
      %jit3A_1539 = arith.constant 31 : i32
      %max3A_1540 = arith.maxsi %jit3A_1538, %convert_element_type3A_1537 : i32
      %min3A_1541 = arith.minsi %jit3A_1539, %max3A_1540 : i32
      %get3A_1542 = arith.index_cast %scan3A_1531 : i32 to index
      %get3A_1543 = arith.constant 3 : index
      %get3A_1544 = memref.load %arg1[%get3A_1542, %get3A_1543] : memref<160x6xf32, #tpu.memory_space<smem>>
      %mul3A_1545 = arith.constant 3.200000e+01 : f32
      %mul3A_1546 = arith.mulf %get3A_1544, %mul3A_1545 : f32
      %convert_element_type3A_1547 = arith.fptosi %mul3A_1546 : f32 to i32
      %jit3A_1548 = arith.constant 0 : i32
      %jit3A_1549 = arith.constant 31 : i32
      %max3A_1550 = arith.maxsi %jit3A_1548, %convert_element_type3A_1547 : i32
      %min3A_1551 = arith.minsi %jit3A_1549, %max3A_1550 : i32
      %mul3A_1552 = arith.constant 32 : i32
      %mul3A_1553 = arith.muli %min3A_1551, %mul3A_1552 : i32
      %add3A_1554 = arith.addi %mul3A_1553, %min3A_1541 : i32
      %add3A_1555 = arith.constant 0 : i32
      %add3A_1556 = arith.addi %add3A_1555, %add3A_1554 : i32
      %get3A_1557 = arith.index_cast %add3A_1556 : i32 to index
      %get3A_1558 = arith.constant 0 : index
      %get3A_1559 = vector.load %arg4[%get3A_1557, %get3A_1558] : memref<3072x85xf32, #tpu.memory_space<vmem>>, vector<1x85xf32>
      %swap3A_1560 = arith.constant 0 : index
      %swap3A_1561 = arith.index_cast %scan3A_1531 : i32 to index
      %swap3A_1562 = arith.constant 0 : index
      %swap3A_1563 = vector.load %arg9[%swap3A_1560, %swap3A_1561, %swap3A_1562] : memref<3x160x85xf32, #tpu.memory_space<vmem>>, vector<1x1x85xf32>
      %swap3A_1564 = vector.shape_cast %swap3A_1563 : vector<1x1x85xf32> to vector<1x85xf32>
      %swap3A_1565 = vector.shape_cast %get3A_1559 : vector<1x85xf32> to vector<1x1x85xf32>
      tpu.vector_store %arg9[%swap3A_1560, %swap3A_1561, %swap3A_1562], %swap3A_1565 {strides = array<i32>} : memref<3x160x85xf32, #tpu.memory_space<vmem>>, vector<1x1x85xf32>,
      %add3A_1566 = arith.constant 1024 : i32
      %add3A_1567 = arith.addi %add3A_1566, %add3A_1554 : i32
      %get3A_1568 = arith.index_cast %add3A_1567 : i32 to index
      %get3A_1569 = arith.constant 0 : index
      %get3A_1570 = vector.load %arg4[%get3A_1568, %get3A_1569] : memref<3072x85xf32, #tpu.memory_space<vmem>>, vector<1x85xf32>
      %swap3A_1571 = arith.constant 1 : index
      %swap3A_1572 = arith.index_cast %scan3A_1531 : i32 to index
      %swap3A_1573 = arith.constant 0 : index
      %swap3A_1574 = vector.load %arg9[%swap3A_1571, %swap3A_1572, %swap3A_1573] : memref<3x160x85xf32, #tpu.memory_space<vmem>>, vector<1x1x85xf32>
      %swap3A_1575 = vector.shape_cast %swap3A_1574 : vector<1x1x85xf32> to vector<1x85xf32>
      %swap3A_1576 = vector.shape_cast %get3A_1570 : vector<1x85xf32> to vector<1x1x85xf32>
      tpu.vector_store %arg9[%swap3A_1571, %swap3A_1572, %swap3A_1573], %swap3A_1576 {strides = array<i32>} : memref<3x160x85xf32, #tpu.memory_space<vmem>>, vector<1x1x85xf32>,
      %add3A_1577 = arith.constant 2048 : i32
      %add3A_1578 = arith.addi %add3A_1577, %add3A_1554 : i32
      %get3A_1579 = arith.index_cast %add3A_1578 : i32 to index
      %get3A_1580 = arith.constant 0 : index
      %get3A_1581 = vector.load %arg4[%get3A_1579, %get3A_1580] : memref<3072x85xf32, #tpu.memory_space<vmem>>, vector<1x85xf32>
      %swap3A_1582 = arith.constant 2 : index
      %swap3A_1583 = arith.index_cast %scan3A_1531 : i32 to index
      %swap3A_1584 = arith.constant 0 : index
      %swap3A_1585 = vector.load %arg9[%swap3A_1582, %swap3A_1583, %swap3A_1584] : memref<3x160x85xf32, #tpu.memory_space<vmem>>, vector<1x1x85xf32>
      %swap3A_1586 = vector.shape_cast %swap3A_1585 : vector<1x1x85xf32> to vector<1x85xf32>
      %swap3A_1587 = vector.shape_cast %get3A_1581 : vector<1x85xf32> to vector<1x1x85xf32>
      tpu.vector_store %arg9[%swap3A_1582, %swap3A_1583, %swap3A_1584], %swap3A_1587 {strides = array<i32>} : memref<3x160x85xf32, #tpu.memory_space<vmem>>, vector<1x1x85xf32>,
    }
    %scan3A_467 = arith.constant 160 : i32
    %get3A_468 = arith.constant 0 : index
    %get3A_469 = arith.constant 0 : index
    %get3A_470 = arith.constant 0 : index
    %get3A_471 = vector.load %arg9[%get3A_468, %get3A_469, %get3A_470] : memref<3x160x85xf32, #tpu.memory_space<vmem>>, vector<3x160x85xf32>
    %slice3A_472 = vector.extract_strided_slice %get3A_1 {offsets = [0, 2], sizes = [160, 1], strides = [1, 1]} : vector<160x6xf32> to vector<160x1xf32>
    %mul3A_473 = arith.constant 3.200000e+01 : f32
    %mul3A_474 = vector.broadcast %mul3A_473 : f32 to vector<160x1xf32>
    %mul3A_475 = arith.mulf %slice3A_472, %mul3A_474 : vector<160x1xf32>
    %slice3A_476 = vector.extract_strided_slice %get3A_1 {offsets = [0, 3], sizes = [160, 1], strides = [1, 1]} : vector<160x6xf32> to vector<160x1xf32>
    %mul3A_477 = arith.constant 3.200000e+01 : f32
    %mul3A_478 = vector.broadcast %mul3A_477 : f32 to vector<160x1xf32>
    %mul3A_479 = arith.mulf %slice3A_476, %mul3A_478 : vector<160x1xf32>
    %slice3A_480 = vector.extract_strided_slice %get3A_1 {offsets = [0, 4], sizes = [160, 1], strides = [1, 1]} : vector<160x6xf32> to vector<160x1xf32>
    %mul3A_481 = arith.constant 3.200000e+01 : f32
    %mul3A_482 = vector.broadcast %mul3A_481 : f32 to vector<160x1xf32>
    %mul3A_483 = arith.mulf %slice3A_480, %mul3A_482 : vector<160x1xf32>
    %slice3A_484 = vector.extract_strided_slice %get3A_1 {offsets = [0, 5], sizes = [160, 1], strides = [1, 1]} : vector<160x6xf32> to vector<160x1xf32>
    %mul3A_485 = arith.constant 3.200000e+01 : f32
    %mul3A_486 = vector.broadcast %mul3A_485 : f32 to vector<160x1xf32>
    %mul3A_487 = arith.mulf %slice3A_484, %mul3A_486 : vector<160x1xf32>
    %floor3A_488 = math.floor %mul3A_475 : vector<160x1xf32>
    %jit3A_489 = arith.constant 0.000000e+00 : f32
    %jit3A_490 = arith.constant 3.100000e+01 : f32
    %max3A_491 = vector.broadcast %jit3A_489 : f32 to vector<160x1xf32>
    %max3A_492 = arith.maximumf %max3A_491, %floor3A_488 : vector<160x1xf32>
    %min3A_493 = vector.broadcast %jit3A_490 : f32 to vector<160x1xf32>
    %min3A_494 = arith.minimumf %min3A_493, %max3A_492 : vector<160x1xf32>
    %floor3A_495 = math.floor %mul3A_479 : vector<160x1xf32>
    %jit3A_496 = arith.constant 0.000000e+00 : f32
    %jit3A_497 = arith.constant 3.100000e+01 : f32
    %max3A_498 = vector.broadcast %jit3A_496 : f32 to vector<160x1xf32>
    %max3A_499 = arith.maximumf %max3A_498, %floor3A_495 : vector<160x1xf32>
    %min3A_500 = vector.broadcast %jit3A_497 : f32 to vector<160x1xf32>
    %min3A_501 = arith.minimumf %min3A_500, %max3A_499 : vector<160x1xf32>
    %sub3A_502 = arith.subf %mul3A_475, %min3A_494 : vector<160x1xf32>
    %reshape3A_503 = vector.shape_cast %sub3A_502 : vector<160x1xf32> to vector<1x160x1xf32>
    %sub3A_504 = arith.subf %mul3A_479, %min3A_501 : vector<160x1xf32>
    %reshape3A_505 = vector.shape_cast %sub3A_504 : vector<160x1xf32> to vector<1x160x1xf32>
    %reshape3A_506 = vector.shape_cast %mul3A_483 : vector<160x1xf32> to vector<1x160x1xf32>
    %reshape3A_507 = vector.shape_cast %mul3A_487 : vector<160x1xf32> to vector<1x160x1xf32>
    %iota3A_508 = tpu.iota {dimensions = array<i32: 0>} : vector<3x1x1xi32>
    %eq3A_509 = arith.constant 0 : i32
    %eq3A_510 = vector.broadcast %eq3A_509 : i32 to vector<3x1x1xi32>
    %eq3A_511 = arith.cmpi eq, %iota3A_508, %eq3A_510 : vector<3x1x1xi32>
    %eq3A_512 = arith.constant 1 : i32
    %eq3A_513 = vector.broadcast %eq3A_512 : i32 to vector<3x1x1xi32>
    %eq3A_514 = arith.cmpi eq, %iota3A_508, %eq3A_513 : vector<3x1x1xi32>
    %jit3A_515 = arith.constant 3.875000e+00 : f32
    %jit3A_516 = arith.constant 3.687500e+00 : f32
    %broadcast_in_dim3A_517 = vector.broadcast %jit3A_515 : f32 to vector<3x1x1xf32>
    %broadcast_in_dim3A_518 = vector.broadcast %jit3A_516 : f32 to vector<3x1x1xf32>
    %select_n3A_519 = arith.select %eq3A_514, %broadcast_in_dim3A_517, %broadcast_in_dim3A_518 : vector<3x1x1xi1>, vector<3x1x1xf32>
    %jit3A_520 = arith.constant 1.875000e+00 : f32
    %broadcast_in_dim3A_521 = vector.broadcast %jit3A_520 : f32 to vector<3x1x1xf32>
    %select_n3A_522 = arith.select %eq3A_511, %broadcast_in_dim3A_521, %select_n3A_519 : vector<3x1x1xi1>, vector<3x1x1xf32>
    %eq3A_523 = arith.constant 0 : i32
    %eq3A_524 = vector.broadcast %eq3A_523 : i32 to vector<3x1x1xi32>
    %eq3A_525 = arith.cmpi eq, %iota3A_508, %eq3A_524 : vector<3x1x1xi32>
    %eq3A_526 = arith.constant 1 : i32
    %eq3A_527 = vector.broadcast %eq3A_526 : i32 to vector<3x1x1xi32>
    %eq3A_528 = arith.cmpi eq, %iota3A_508, %eq3A_527 : vector<3x1x1xi32>
    %jit3A_529 = arith.constant 2.812500e+00 : f32
    %jit3A_530 = arith.constant 7.437500e+00 : f32
    %broadcast_in_dim3A_531 = vector.broadcast %jit3A_529 : f32 to vector<3x1x1xf32>
    %broadcast_in_dim3A_532 = vector.broadcast %jit3A_530 : f32 to vector<3x1x1xf32>
    %select_n3A_533 = arith.select %eq3A_528, %broadcast_in_dim3A_531, %broadcast_in_dim3A_532 : vector<3x1x1xi1>, vector<3x1x1xf32>
    %jit3A_534 = arith.constant 3.812500e+00 : f32
    %broadcast_in_dim3A_535 = vector.broadcast %jit3A_534 : f32 to vector<3x1x1xf32>
    %select_n3A_536 = arith.select %eq3A_525, %broadcast_in_dim3A_535, %select_n3A_533 : vector<3x1x1xi1>, vector<3x1x1xf32>
    %div3A_537 = vector.broadcast %reshape3A_506 : vector<1x160x1xf32> to vector<3x160x1xf32>
    %div3A_538 = vector.broadcast %select_n3A_522 : vector<3x1x1xf32> to vector<3x160x1xf32>
    %div3A_539 = arith.divf %div3A_537, %div3A_538 : vector<3x160x1xf32>
    %div3A_540 = vector.broadcast %reshape3A_507 : vector<1x160x1xf32> to vector<3x160x1xf32>
    %div3A_541 = vector.broadcast %select_n3A_536 : vector<3x1x1xf32> to vector<3x160x1xf32>
    %div3A_542 = arith.divf %div3A_540, %div3A_541 : vector<3x160x1xf32>
    %div3A_543 = arith.constant 1.000000e+00 : f32
    %div3A_544 = vector.broadcast %div3A_543 : f32 to vector<3x160x1xf32>
    %div3A_545 = arith.divf %div3A_544, %div3A_539 : vector<3x160x1xf32>
    %max3A_546 = arith.maximumf %div3A_539, %div3A_545 : vector<3x160x1xf32>
    %div3A_547 = arith.constant 1.000000e+00 : f32
    %div3A_548 = vector.broadcast %div3A_547 : f32 to vector<3x160x1xf32>
    %div3A_549 = arith.divf %div3A_548, %div3A_542 : vector<3x160x1xf32>
    %max3A_550 = arith.maximumf %div3A_542, %div3A_549 : vector<3x160x1xf32>
    %max3A_551 = arith.maximumf %max3A_546, %max3A_550 : vector<3x160x1xf32>
    %lt3A_552 = arith.constant 4.000000e+00 : f32
    %lt3A_553 = vector.broadcast %lt3A_552 : f32 to vector<3x160x1xf32>
    %lt3A_554 = arith.cmpf olt, %max3A_551, %lt3A_553 : vector<3x160x1xf32>
    %convert_element_type3A_555 = arith.extui %lt3A_554 : vector<3x160x1xi1> to vector<3x160x1xi32>
    %convert_element_type3A_556 = arith.sitofp %convert_element_type3A_555 : vector<3x160x1xi32> to vector<3x160x1xf32>
    %reduce_sum3A_557 = vector.shape_cast %convert_element_type3A_556 : vector<3x160x1xf32> to vector<1x3x160x1xf32>
    %reduce_sum3A_558 = arith.constant dense<0.000000e+00> : vector<1xf32>
    %reduce_sum3A_559 = vector.multi_reduction <add>, %reduce_sum3A_557, %reduce_sum3A_558 [1, 2, 3] : vector<1x3x160x1xf32> to vector<1xf32>
    %reduce_sum3A_560 = vector.shape_cast %reduce_sum3A_559 : vector<1xf32> to vector<1x1x1x1xf32>
    %reduce_sum3A_561 = vector.extract %reduce_sum3A_560[0, 0, 0, 0] : f32 from vector<1x1x1x1xf32>
    %max3A_562 = arith.constant 1.000000e+00 : f32
    %max3A_563 = arith.maximumf %reduce_sum3A_561, %max3A_562 : f32
    %slice3A_564 = vector.extract_strided_slice %get3A_471 {offsets = [0, 0, 0], sizes = [3, 160, 1], strides = [1, 1, 1]} : vector<3x160x85xf32> to vector<3x160x1xf32>
    %logistic3A_565 = arith.negf %slice3A_564 : vector<3x160x1xf32>
    %logistic3A_566 = math.exp %logistic3A_565 : vector<3x160x1xf32>
    %logistic3A_567 = arith.constant 1.000000e+00 : f32
    %logistic3A_568 = vector.broadcast %logistic3A_567 : f32 to vector<3x160x1xf32>
    %logistic3A_569 = arith.addf %logistic3A_568, %logistic3A_566 : vector<3x160x1xf32>
    %logistic3A_570 = arith.divf %logistic3A_568, %logistic3A_569 : vector<3x160x1xf32>
    %slice3A_571 = vector.extract_strided_slice %get3A_471 {offsets = [0, 0, 1], sizes = [3, 160, 1], strides = [1, 1, 1]} : vector<3x160x85xf32> to vector<3x160x1xf32>
    %logistic3A_572 = arith.negf %slice3A_571 : vector<3x160x1xf32>
    %logistic3A_573 = math.exp %logistic3A_572 : vector<3x160x1xf32>
    %logistic3A_574 = arith.constant 1.000000e+00 : f32
    %logistic3A_575 = vector.broadcast %logistic3A_574 : f32 to vector<3x160x1xf32>
    %logistic3A_576 = arith.addf %logistic3A_575, %logistic3A_573 : vector<3x160x1xf32>
    %logistic3A_577 = arith.divf %logistic3A_575, %logistic3A_576 : vector<3x160x1xf32>
    %slice3A_578 = vector.extract_strided_slice %get3A_471 {offsets = [0, 0, 2], sizes = [3, 160, 1], strides = [1, 1, 1]} : vector<3x160x85xf32> to vector<3x160x1xf32>
    %exp3A_579 = math.exp %slice3A_578 : vector<3x160x1xf32>
    %mul3A_580 = vector.broadcast %select_n3A_522 : vector<3x1x1xf32> to vector<3x160x1xf32>
    %mul3A_581 = arith.mulf %exp3A_579, %mul3A_580 : vector<3x160x1xf32>
    %slice3A_582 = vector.extract_strided_slice %get3A_471 {offsets = [0, 0, 3], sizes = [3, 160, 1], strides = [1, 1, 1]} : vector<3x160x85xf32> to vector<3x160x1xf32>
    %exp3A_583 = math.exp %slice3A_582 : vector<3x160x1xf32>
    %mul3A_584 = vector.broadcast %select_n3A_536 : vector<3x1x1xf32> to vector<3x160x1xf32>
    %mul3A_585 = arith.mulf %exp3A_583, %mul3A_584 : vector<3x160x1xf32>
    %div3A_586 = arith.constant 2.000000e+00 : f32
    %div3A_587 = vector.broadcast %div3A_586 : f32 to vector<3x160x1xf32>
    %div3A_588 = arith.divf %mul3A_581, %div3A_587 : vector<3x160x1xf32>
    %sub3A_589 = arith.subf %logistic3A_570, %div3A_588 : vector<3x160x1xf32>
    %div3A_590 = arith.constant 2.000000e+00 : f32
    %div3A_591 = vector.broadcast %div3A_590 : f32 to vector<3x160x1xf32>
    %div3A_592 = arith.divf %mul3A_581, %div3A_591 : vector<3x160x1xf32>
    %add3A_593 = arith.addf %logistic3A_570, %div3A_592 : vector<3x160x1xf32>
    %div3A_594 = arith.constant 2.000000e+00 : f32
    %div3A_595 = vector.broadcast %div3A_594 : f32 to vector<3x160x1xf32>
    %div3A_596 = arith.divf %mul3A_585, %div3A_595 : vector<3x160x1xf32>
    %sub3A_597 = arith.subf %logistic3A_577, %div3A_596 : vector<3x160x1xf32>
    %div3A_598 = arith.constant 2.000000e+00 : f32
    %div3A_599 = vector.broadcast %div3A_598 : f32 to vector<3x160x1xf32>
    %div3A_600 = arith.divf %mul3A_585, %div3A_599 : vector<3x160x1xf32>
    %add3A_601 = arith.addf %logistic3A_577, %div3A_600 : vector<3x160x1xf32>
    %div3A_602 = arith.constant 2.000000e+00 : f32
    %div3A_603 = vector.broadcast %div3A_602 : f32 to vector<1x160x1xf32>
    %div3A_604 = arith.divf %reshape3A_506, %div3A_603 : vector<1x160x1xf32>
    %sub3A_605 = arith.subf %reshape3A_503, %div3A_604 : vector<1x160x1xf32>
    %div3A_606 = arith.constant 2.000000e+00 : f32
    %div3A_607 = vector.broadcast %div3A_606 : f32 to vector<1x160x1xf32>
    %div3A_608 = arith.divf %reshape3A_506, %div3A_607 : vector<1x160x1xf32>
    %add3A_609 = arith.addf %reshape3A_503, %div3A_608 : vector<1x160x1xf32>
    %div3A_610 = arith.constant 2.000000e+00 : f32
    %div3A_611 = vector.broadcast %div3A_610 : f32 to vector<1x160x1xf32>
    %div3A_612 = arith.divf %reshape3A_507, %div3A_611 : vector<1x160x1xf32>
    %sub3A_613 = arith.subf %reshape3A_505, %div3A_612 : vector<1x160x1xf32>
    %div3A_614 = arith.constant 2.000000e+00 : f32
    %div3A_615 = vector.broadcast %div3A_614 : f32 to vector<1x160x1xf32>
    %div3A_616 = arith.divf %reshape3A_507, %div3A_615 : vector<1x160x1xf32>
    %add3A_617 = arith.addf %reshape3A_505, %div3A_616 : vector<1x160x1xf32>
    %min3A_618 = vector.broadcast %add3A_609 : vector<1x160x1xf32> to vector<3x160x1xf32>
    %min3A_619 = arith.minimumf %add3A_593, %min3A_618 : vector<3x160x1xf32>
    %max3A_620 = vector.broadcast %sub3A_605 : vector<1x160x1xf32> to vector<3x160x1xf32>
    %max3A_621 = arith.maximumf %sub3A_589, %max3A_620 : vector<3x160x1xf32>
    %sub3A_622 = arith.subf %min3A_619, %max3A_621 : vector<3x160x1xf32>
    %jit3A_623 = arith.constant 0 : i32
    %convert_element_type3A_624 = arith.sitofp %jit3A_623 : i32 to f32
    %max3A_625 = vector.broadcast %convert_element_type3A_624 : f32 to vector<3x160x1xf32>
    %max3A_626 = arith.maximumf %max3A_625, %sub3A_622 : vector<3x160x1xf32>
    %min3A_627 = vector.broadcast %add3A_617 : vector<1x160x1xf32> to vector<3x160x1xf32>
    %min3A_628 = arith.minimumf %add3A_601, %min3A_627 : vector<3x160x1xf32>
    %max3A_629 = vector.broadcast %sub3A_613 : vector<1x160x1xf32> to vector<3x160x1xf32>
    %max3A_630 = arith.maximumf %sub3A_597, %max3A_629 : vector<3x160x1xf32>
    %sub3A_631 = arith.subf %min3A_628, %max3A_630 : vector<3x160x1xf32>
    %jit3A_632 = arith.constant 0 : i32
    %convert_element_type3A_633 = arith.sitofp %jit3A_632 : i32 to f32
    %max3A_634 = vector.broadcast %convert_element_type3A_633 : f32 to vector<3x160x1xf32>
    %max3A_635 = arith.maximumf %max3A_634, %sub3A_631 : vector<3x160x1xf32>
    %mul3A_636 = arith.mulf %max3A_626, %max3A_635 : vector<3x160x1xf32>
    %sub3A_637 = arith.subf %add3A_593, %sub3A_589 : vector<3x160x1xf32>
    %sub3A_638 = arith.subf %add3A_601, %sub3A_597 : vector<3x160x1xf32>
    %add3A_639 = arith.constant 9.99999971E-10 : f32
    %add3A_640 = vector.broadcast %add3A_639 : f32 to vector<3x160x1xf32>
    %add3A_641 = arith.addf %sub3A_638, %add3A_640 : vector<3x160x1xf32>
    %sub3A_642 = arith.subf %add3A_609, %sub3A_605 : vector<1x160x1xf32>
    %sub3A_643 = arith.subf %add3A_617, %sub3A_613 : vector<1x160x1xf32>
    %add3A_644 = arith.constant 9.99999971E-10 : f32
    %add3A_645 = vector.broadcast %add3A_644 : f32 to vector<1x160x1xf32>
    %add3A_646 = arith.addf %sub3A_643, %add3A_645 : vector<1x160x1xf32>
    %mul3A_647 = arith.mulf %sub3A_637, %add3A_641 : vector<3x160x1xf32>
    %mul3A_648 = arith.mulf %sub3A_642, %add3A_646 : vector<1x160x1xf32>
    %add3A_649 = vector.broadcast %mul3A_648 : vector<1x160x1xf32> to vector<3x160x1xf32>
    %add3A_650 = arith.addf %mul3A_647, %add3A_649 : vector<3x160x1xf32>
    %sub3A_651 = arith.subf %add3A_650, %mul3A_636 : vector<3x160x1xf32>
    %add3A_652 = arith.constant 9.99999971E-10 : f32
    %add3A_653 = vector.broadcast %add3A_652 : f32 to vector<3x160x1xf32>
    %add3A_654 = arith.addf %sub3A_651, %add3A_653 : vector<3x160x1xf32>
    %div3A_655 = arith.divf %mul3A_636, %add3A_654 : vector<3x160x1xf32>
    %max3A_656 = vector.broadcast %add3A_609 : vector<1x160x1xf32> to vector<3x160x1xf32>
    %max3A_657 = arith.maximumf %add3A_593, %max3A_656 : vector<3x160x1xf32>
    %min3A_658 = vector.broadcast %sub3A_605 : vector<1x160x1xf32> to vector<3x160x1xf32>
    %min3A_659 = arith.minimumf %sub3A_589, %min3A_658 : vector<3x160x1xf32>
    %sub3A_660 = arith.subf %max3A_657, %min3A_659 : vector<3x160x1xf32>
    %max3A_661 = vector.broadcast %add3A_617 : vector<1x160x1xf32> to vector<3x160x1xf32>
    %max3A_662 = arith.maximumf %add3A_601, %max3A_661 : vector<3x160x1xf32>
    %min3A_663 = vector.broadcast %sub3A_613 : vector<1x160x1xf32> to vector<3x160x1xf32>
    %min3A_664 = arith.minimumf %sub3A_597, %min3A_663 : vector<3x160x1xf32>
    %sub3A_665 = arith.subf %max3A_662, %min3A_664 : vector<3x160x1xf32>
    %integer_pow3A_666 = arith.mulf %sub3A_660, %sub3A_660 : vector<3x160x1xf32>
    %integer_pow3A_667 = arith.mulf %sub3A_665, %sub3A_665 : vector<3x160x1xf32>
    %add3A_668 = arith.addf %integer_pow3A_666, %integer_pow3A_667 : vector<3x160x1xf32>
    %add3A_669 = arith.constant 9.99999971E-10 : f32
    %add3A_670 = vector.broadcast %add3A_669 : f32 to vector<3x160x1xf32>
    %add3A_671 = arith.addf %add3A_668, %add3A_670 : vector<3x160x1xf32>
    %add3A_672 = arith.addf %sub3A_605, %add3A_609 : vector<1x160x1xf32>
    %sub3A_673 = vector.broadcast %add3A_672 : vector<1x160x1xf32> to vector<3x160x1xf32>
    %sub3A_674 = arith.subf %sub3A_673, %sub3A_589 : vector<3x160x1xf32>
    %sub3A_675 = arith.subf %sub3A_674, %add3A_593 : vector<3x160x1xf32>
    %integer_pow3A_676 = arith.mulf %sub3A_675, %sub3A_675 : vector<3x160x1xf32>
    %add3A_677 = arith.addf %sub3A_613, %add3A_617 : vector<1x160x1xf32>
    %sub3A_678 = vector.broadcast %add3A_677 : vector<1x160x1xf32> to vector<3x160x1xf32>
    %sub3A_679 = arith.subf %sub3A_678, %sub3A_597 : vector<3x160x1xf32>
    %sub3A_680 = arith.subf %sub3A_679, %add3A_601 : vector<3x160x1xf32>
    %integer_pow3A_681 = arith.mulf %sub3A_680, %sub3A_680 : vector<3x160x1xf32>
    %add3A_682 = arith.addf %integer_pow3A_676, %integer_pow3A_681 : vector<3x160x1xf32>
    %div3A_683 = arith.constant 4.000000e+00 : f32
    %div3A_684 = vector.broadcast %div3A_683 : f32 to vector<3x160x1xf32>
    %div3A_685 = arith.divf %add3A_682, %div3A_684 : vector<3x160x1xf32>
    %div3A_686 = arith.divf %sub3A_642, %add3A_646 : vector<1x160x1xf32>
    %atan23A_687 = arith.constant 1.000000e+00 : f32
    %atan23A_688 = vector.broadcast %atan23A_687 : f32 to vector<1x160x1xf32>
    %atan23A_689 = math.atan2 %div3A_686, %atan23A_688 : vector<1x160x1xf32>
    %div3A_690 = arith.divf %sub3A_637, %add3A_641 : vector<3x160x1xf32>
    %atan23A_691 = arith.constant 1.000000e+00 : f32
    %atan23A_692 = vector.broadcast %atan23A_691 : f32 to vector<3x160x1xf32>
    %atan23A_693 = math.atan2 %div3A_690, %atan23A_692 : vector<3x160x1xf32>
    %sub3A_694 = vector.broadcast %atan23A_689 : vector<1x160x1xf32> to vector<3x160x1xf32>
    %sub3A_695 = arith.subf %sub3A_694, %atan23A_693 : vector<3x160x1xf32>
    %integer_pow3A_696 = arith.mulf %sub3A_695, %sub3A_695 : vector<3x160x1xf32>
    %mul3A_697 = arith.constant 0.405284733 : f32
    %mul3A_698 = vector.broadcast %mul3A_697 : f32 to vector<3x160x1xf32>
    %mul3A_699 = arith.mulf %mul3A_698, %integer_pow3A_696 : vector<3x160x1xf32>
    %sub3A_700 = arith.constant 1.000000e+00 : f32
    %sub3A_701 = vector.broadcast %sub3A_700 : f32 to vector<3x160x1xf32>
    %sub3A_702 = arith.subf %sub3A_701, %div3A_655 : vector<3x160x1xf32>
    %add3A_703 = arith.addf %sub3A_702, %mul3A_699 : vector<3x160x1xf32>
    %div3A_704 = arith.divf %mul3A_699, %add3A_703 : vector<3x160x1xf32>
    %div3A_705 = arith.divf %div3A_685, %add3A_671 : vector<3x160x1xf32>
    %mul3A_706 = arith.mulf %mul3A_699, %div3A_704 : vector<3x160x1xf32>
    %add3A_707 = arith.addf %div3A_705, %mul3A_706 : vector<3x160x1xf32>
    %sub3A_708 = arith.subf %div3A_655, %add3A_707 : vector<3x160x1xf32>
    %sub3A_709 = arith.constant 1.000000e+00 : f32
    %sub3A_710 = vector.broadcast %sub3A_709 : f32 to vector<3x160x1xf32>
    %sub3A_711 = arith.subf %sub3A_710, %sub3A_708 : vector<3x160x1xf32>
    %mul3A_712 = arith.mulf %sub3A_711, %convert_element_type3A_556 : vector<3x160x1xf32>
    %reduce_sum3A_713 = vector.shape_cast %mul3A_712 : vector<3x160x1xf32> to vector<1x3x160x1xf32>
    %reduce_sum3A_714 = arith.constant dense<0.000000e+00> : vector<1xf32>
    %reduce_sum3A_715 = vector.multi_reduction <add>, %reduce_sum3A_713, %reduce_sum3A_714 [1, 2, 3] : vector<1x3x160x1xf32> to vector<1xf32>
    %reduce_sum3A_716 = vector.shape_cast %reduce_sum3A_715 : vector<1xf32> to vector<1x1x1x1xf32>
    %reduce_sum3A_717 = vector.extract %reduce_sum3A_716[0, 0, 0, 0] : f32 from vector<1x1x1x1xf32>
    %div3A_718 = arith.divf %reduce_sum3A_717, %max3A_563 : f32
    %add3A_719 = arith.addf %add3A_237, %div3A_718 : f32
    %slice3A_720 = vector.extract_strided_slice %get3A_1 {offsets = [0, 1], sizes = [160, 1], strides = [1, 1]} : vector<160x6xf32> to vector<160x1xf32>
    %convert_element_type3A_721 = arith.fptosi %slice3A_720 : vector<160x1xf32> to vector<160x1xi32>
    %reshape3A_722 = vector.shape_cast %convert_element_type3A_721 : vector<160x1xi32> to vector<1x160x1xi32>
    %iota3A_723 = tpu.iota {dimensions = array<i32: 2>} : vector<1x160x80xi32>
    %eq3A_724 = vector.broadcast %reshape3A_722 : vector<1x160x1xi32> to vector<1x160x80xi32>
    %eq3A_725 = arith.cmpi eq, %iota3A_723, %eq3A_724 : vector<1x160x80xi32>
    %convert_element_type3A_726 = arith.extui %eq3A_725 : vector<1x160x80xi1> to vector<1x160x80xi32>
    %convert_element_type3A_727 = arith.sitofp %convert_element_type3A_726 : vector<1x160x80xi32> to vector<1x160x80xf32>
    %slice3A_728 = vector.extract_strided_slice %get3A_471 {offsets = [0, 0, 5], sizes = [3, 160, 80], strides = [1, 1, 1]} : vector<3x160x85xf32> to vector<3x160x80xf32>
    %max3A_729 = arith.constant 0.000000e+00 : f32
    %max3A_730 = vector.broadcast %max3A_729 : f32 to vector<3x160x80xf32>
    %max3A_731 = arith.maximumf %slice3A_728, %max3A_730 : vector<3x160x80xf32>
    %abs3A_732 = math.absf %slice3A_728 : vector<3x160x80xf32>
    %neg3A_733 = arith.constant 0.000000e+00 : f32
    %neg3A_734 = vector.broadcast %neg3A_733 : f32 to vector<3x160x80xf32>
    %neg3A_735 = arith.subf %neg3A_734, %abs3A_732 : vector<3x160x80xf32>
    %exp3A_736 = math.exp %neg3A_735 : vector<3x160x80xf32>
    %log1p3A_737 = math.log1p %exp3A_736 : vector<3x160x80xf32>
    %add3A_738 = arith.addf %max3A_731, %log1p3A_737 : vector<3x160x80xf32>
    %reduce_sum3A_739 = arith.constant dense<0.000000e+00> : vector<3x160xf32>
    %reduce_sum3A_740 = vector.multi_reduction <add>, %add3A_738, %reduce_sum3A_739 [2] : vector<3x160x80xf32> to vector<3x160xf32>
    %broadcast_in_dim3A_741 = vector.shape_cast %reduce_sum3A_740 : vector<3x160xf32> to vector<3x160x1xf32>
    %mul3A_742 = vector.broadcast %convert_element_type3A_727 : vector<1x160x80xf32> to vector<3x160x80xf32>
    %mul3A_743 = arith.mulf %slice3A_728, %mul3A_742 : vector<3x160x80xf32>
    %reduce_sum3A_744 = arith.constant dense<0.000000e+00> : vector<3x160xf32>
    %reduce_sum3A_745 = vector.multi_reduction <add>, %mul3A_743, %reduce_sum3A_744 [2] : vector<3x160x80xf32> to vector<3x160xf32>
    %broadcast_in_dim3A_746 = vector.shape_cast %reduce_sum3A_745 : vector<3x160xf32> to vector<3x160x1xf32>
    %sub3A_747 = arith.subf %broadcast_in_dim3A_741, %broadcast_in_dim3A_746 : vector<3x160x1xf32>
    %mul3A_748 = arith.mulf %convert_element_type3A_556, %sub3A_747 : vector<3x160x1xf32>
    %reduce_sum3A_749 = vector.shape_cast %mul3A_748 : vector<3x160x1xf32> to vector<1x3x160x1xf32>
    %reduce_sum3A_750 = arith.constant dense<0.000000e+00> : vector<1xf32>
    %reduce_sum3A_751 = vector.multi_reduction <add>, %reduce_sum3A_749, %reduce_sum3A_750 [1, 2, 3] : vector<1x3x160x1xf32> to vector<1xf32>
    %reduce_sum3A_752 = vector.shape_cast %reduce_sum3A_751 : vector<1xf32> to vector<1x1x1x1xf32>
    %reduce_sum3A_753 = vector.extract %reduce_sum3A_752[0, 0, 0, 0] : f32 from vector<1x1x1x1xf32>
    %mul3A_754 = arith.constant 8.000000e+01 : f32
    %mul3A_755 = arith.mulf %max3A_563, %mul3A_754 : f32
    %div3A_756 = arith.divf %reduce_sum3A_753, %mul3A_755 : f32
    %add3A_757 = arith.addf %add3A_273, %div3A_756 : f32
    %mul3A_758 = arith.constant 3.200000e+01 : f32
    %mul3A_759 = vector.broadcast %mul3A_758 : f32 to vector<160x1xf32>
    %mul3A_760 = arith.mulf %min3A_501, %mul3A_759 : vector<160x1xf32>
    %add3A_761 = arith.addf %mul3A_760, %min3A_494 : vector<160x1xf32>
    %slice3A_762 = vector.extract_strided_slice %transpose3A {offsets = [2, 0], sizes = [1, 160], strides = [1, 1]} : vector<6x160xf32> to vector<1x160xf32>
    %mul3A_763 = arith.constant 3.200000e+01 : f32
    %mul3A_764 = vector.broadcast %mul3A_763 : f32 to vector<1x160xf32>
    %mul3A_765 = arith.mulf %slice3A_762, %mul3A_764 : vector<1x160xf32>
    %slice3A_766 = vector.extract_strided_slice %transpose3A {offsets = [3, 0], sizes = [1, 160], strides = [1, 1]} : vector<6x160xf32> to vector<1x160xf32>
    %mul3A_767 = arith.constant 3.200000e+01 : f32
    %mul3A_768 = vector.broadcast %mul3A_767 : f32 to vector<1x160xf32>
    %mul3A_769 = arith.mulf %slice3A_766, %mul3A_768 : vector<1x160xf32>
    %floor3A_770 = math.floor %mul3A_769 : vector<1x160xf32>
    %jit3A_771 = arith.constant 0.000000e+00 : f32
    %jit3A_772 = arith.constant 3.100000e+01 : f32
    %max3A_773 = vector.broadcast %jit3A_771 : f32 to vector<1x160xf32>
    %max3A_774 = arith.maximumf %max3A_773, %floor3A_770 : vector<1x160xf32>
    %min3A_775 = vector.broadcast %jit3A_772 : f32 to vector<1x160xf32>
    %min3A_776 = arith.minimumf %min3A_775, %max3A_774 : vector<1x160xf32>
    %mul3A_777 = arith.constant 3.200000e+01 : f32
    %mul3A_778 = vector.broadcast %mul3A_777 : f32 to vector<1x160xf32>
    %mul3A_779 = arith.mulf %min3A_776, %mul3A_778 : vector<1x160xf32>
    %floor3A_780 = math.floor %mul3A_765 : vector<1x160xf32>
    %jit3A_781 = arith.constant 0.000000e+00 : f32
    %jit3A_782 = arith.constant 3.100000e+01 : f32
    %max3A_783 = vector.broadcast %jit3A_781 : f32 to vector<1x160xf32>
    %max3A_784 = arith.maximumf %max3A_783, %floor3A_780 : vector<1x160xf32>
    %min3A_785 = vector.broadcast %jit3A_782 : f32 to vector<1x160xf32>
    %min3A_786 = arith.minimumf %min3A_785, %max3A_784 : vector<1x160xf32>
    %add3A_787 = arith.addf %mul3A_779, %min3A_786 : vector<1x160xf32>
    %slice3A_788 = vector.extract_strided_slice %transpose3A {offsets = [4, 0], sizes = [1, 160], strides = [1, 1]} : vector<6x160xf32> to vector<1x160xf32>
    %mul3A_789 = arith.constant 3.200000e+01 : f32
    %mul3A_790 = vector.broadcast %mul3A_789 : f32 to vector<1x160xf32>
    %mul3A_791 = arith.mulf %slice3A_788, %mul3A_790 : vector<1x160xf32>
    %slice3A_792 = vector.extract_strided_slice %transpose3A {offsets = [5, 0], sizes = [1, 160], strides = [1, 1]} : vector<6x160xf32> to vector<1x160xf32>
    %mul3A_793 = arith.constant 3.200000e+01 : f32
    %mul3A_794 = vector.broadcast %mul3A_793 : f32 to vector<1x160xf32>
    %mul3A_795 = arith.mulf %slice3A_792, %mul3A_794 : vector<1x160xf32>
    %eq3A_796 = vector.broadcast %add3A_761 : vector<160x1xf32> to vector<160x160xf32>
    %eq3A_797 = vector.broadcast %add3A_787 : vector<1x160xf32> to vector<160x160xf32>
    %eq3A_798 = arith.cmpf oeq, %eq3A_796, %eq3A_797 : vector<160x160xf32>
    %convert_element_type3A_799 = arith.extui %eq3A_798 : vector<160x160xi1> to vector<160x160xi32>
    %convert_element_type3A_800 = arith.sitofp %convert_element_type3A_799 : vector<160x160xi32> to vector<160x160xf32>
    %iota3A_801 = tpu.iota {dimensions = array<i32: 0>} : vector<160x160xi32>
    %iota3A_802 = tpu.iota {dimensions = array<i32: 1>} : vector<160x160xi32>
    %gt3A_803 = arith.cmpi sgt, %iota3A_802, %iota3A_801 : vector<160x160xi32>
    %convert_element_type3A_804 = arith.extui %gt3A_803 : vector<160x160xi1> to vector<160x160xi32>
    %convert_element_type3A_805 = arith.sitofp %convert_element_type3A_804 : vector<160x160xi32> to vector<160x160xf32>
    %div3A_806 = arith.constant 1.875000e+00 : f32
    %div3A_807 = vector.broadcast %div3A_806 : f32 to vector<1x160xf32>
    %div3A_808 = arith.divf %mul3A_791, %div3A_807 : vector<1x160xf32>
    %div3A_809 = arith.constant 3.812500e+00 : f32
    %div3A_810 = vector.broadcast %div3A_809 : f32 to vector<1x160xf32>
    %div3A_811 = arith.divf %mul3A_795, %div3A_810 : vector<1x160xf32>
    %div3A_812 = arith.constant 1.000000e+00 : f32
    %div3A_813 = vector.broadcast %div3A_812 : f32 to vector<1x160xf32>
    %div3A_814 = arith.divf %div3A_813, %div3A_808 : vector<1x160xf32>
    %max3A_815 = arith.maximumf %div3A_808, %div3A_814 : vector<1x160xf32>
    %div3A_816 = arith.constant 1.000000e+00 : f32
    %div3A_817 = vector.broadcast %div3A_816 : f32 to vector<1x160xf32>
    %div3A_818 = arith.divf %div3A_817, %div3A_811 : vector<1x160xf32>
    %max3A_819 = arith.maximumf %div3A_811, %div3A_818 : vector<1x160xf32>
    %max3A_820 = arith.maximumf %max3A_815, %max3A_819 : vector<1x160xf32>
    %lt3A_821 = arith.constant 4.000000e+00 : f32
    %lt3A_822 = vector.broadcast %lt3A_821 : f32 to vector<1x160xf32>
    %lt3A_823 = arith.cmpf olt, %max3A_820, %lt3A_822 : vector<1x160xf32>
    %convert_element_type3A_824 = arith.extui %lt3A_823 : vector<1x160xi1> to vector<1x160xi32>
    %convert_element_type3A_825 = arith.sitofp %convert_element_type3A_824 : vector<1x160xi32> to vector<1x160xf32>
    %mul3A_826 = arith.mulf %convert_element_type3A_800, %convert_element_type3A_805 : vector<160x160xf32>
    %mul3A_827 = vector.broadcast %convert_element_type3A_825 : vector<1x160xf32> to vector<160x160xf32>
    %mul3A_828 = arith.mulf %mul3A_826, %mul3A_827 : vector<160x160xf32>
    %reduce_max3A_829 = arith.constant dense<0xFF800000> : vector<160xf32>
    %reduce_max3A_830 = vector.multi_reduction <maximumf>, %mul3A_828, %reduce_max3A_829 [1] : vector<160x160xf32> to vector<160xf32>
    %broadcast_in_dim3A_831 = vector.shape_cast %reduce_max3A_830 : vector<160xf32> to vector<160x1xf32>
    %slice3A_832 = vector.extract_strided_slice %convert_element_type3A_556 {offsets = [0, 0, 0], sizes = [1, 160, 1], strides = [1, 1, 1]} : vector<3x160x1xf32> to vector<1x160x1xf32>
    %reshape3A_833 = vector.shape_cast %slice3A_832 : vector<1x160x1xf32> to vector<160x1xf32>
    %sub3A_834 = arith.constant 1.000000e+00 : f32
    %sub3A_835 = vector.broadcast %sub3A_834 : f32 to vector<160x1xf32>
    %sub3A_836 = arith.subf %sub3A_835, %broadcast_in_dim3A_831 : vector<160x1xf32>
    %mul3A_837 = arith.mulf %reshape3A_833, %sub3A_836 : vector<160x1xf32>
    %slice3A_838 = vector.extract_strided_slice %get3A_471 {offsets = [0, 0, 4], sizes = [1, 160, 1], strides = [1, 1, 1]} : vector<3x160x85xf32> to vector<1x160x1xf32>
    %reshape3A_839 = vector.shape_cast %slice3A_838 : vector<1x160x1xf32> to vector<160x1xf32>
    %slice3A_840 = vector.extract_strided_slice %sub3A_708 {offsets = [0, 0, 0], sizes = [1, 160, 1], strides = [1, 1, 1]} : vector<3x160x1xf32> to vector<1x160x1xf32>
    %reshape3A_841 = vector.shape_cast %slice3A_840 : vector<1x160x1xf32> to vector<160x1xf32>
    %max3A_842 = arith.constant 0.000000e+00 : f32
    %max3A_843 = vector.broadcast %max3A_842 : f32 to vector<160x1xf32>
    %max3A_844 = arith.maximumf %reshape3A_841, %max3A_843 : vector<160x1xf32>
    %mul3A_845 = arith.mulf %mul3A_837, %reshape3A_839 : vector<160x1xf32>
    %mul3A_846 = arith.mulf %mul3A_845, %max3A_844 : vector<160x1xf32>
    %reduce_sum3A_847 = vector.shape_cast %mul3A_846 : vector<160x1xf32> to vector<1x160x1xf32>
    %reduce_sum3A_848 = arith.constant dense<0.000000e+00> : vector<1xf32>
    %reduce_sum3A_849 = vector.multi_reduction <add>, %reduce_sum3A_847, %reduce_sum3A_848 [1, 2] : vector<1x160x1xf32> to vector<1xf32>
    %reduce_sum3A_850 = vector.shape_cast %reduce_sum3A_849 : vector<1xf32> to vector<1x1x1xf32>
    %reduce_sum3A_851 = vector.extract %reduce_sum3A_850[0, 0, 0] : f32 from vector<1x1x1xf32>
    %add3A_852 = arith.constant 0.000000e+00 : f32
    %add3A_853 = arith.addf %add3A_852, %reduce_sum3A_851 : f32
    %div3A_854 = arith.constant 3.875000e+00 : f32
    %div3A_855 = vector.broadcast %div3A_854 : f32 to vector<1x160xf32>
    %div3A_856 = arith.divf %mul3A_791, %div3A_855 : vector<1x160xf32>
    %div3A_857 = arith.constant 2.812500e+00 : f32
    %div3A_858 = vector.broadcast %div3A_857 : f32 to vector<1x160xf32>
    %div3A_859 = arith.divf %mul3A_795, %div3A_858 : vector<1x160xf32>
    %div3A_860 = arith.constant 1.000000e+00 : f32
    %div3A_861 = vector.broadcast %div3A_860 : f32 to vector<1x160xf32>
    %div3A_862 = arith.divf %div3A_861, %div3A_856 : vector<1x160xf32>
    %max3A_863 = arith.maximumf %div3A_856, %div3A_862 : vector<1x160xf32>
    %div3A_864 = arith.constant 1.000000e+00 : f32
    %div3A_865 = vector.broadcast %div3A_864 : f32 to vector<1x160xf32>
    %div3A_866 = arith.divf %div3A_865, %div3A_859 : vector<1x160xf32>
    %max3A_867 = arith.maximumf %div3A_859, %div3A_866 : vector<1x160xf32>
    %max3A_868 = arith.maximumf %max3A_863, %max3A_867 : vector<1x160xf32>
    %lt3A_869 = arith.constant 4.000000e+00 : f32
    %lt3A_870 = vector.broadcast %lt3A_869 : f32 to vector<1x160xf32>
    %lt3A_871 = arith.cmpf olt, %max3A_868, %lt3A_870 : vector<1x160xf32>
    %convert_element_type3A_872 = arith.extui %lt3A_871 : vector<1x160xi1> to vector<1x160xi32>
    %convert_element_type3A_873 = arith.sitofp %convert_element_type3A_872 : vector<1x160xi32> to vector<1x160xf32>
    %mul3A_874 = arith.mulf %convert_element_type3A_800, %convert_element_type3A_805 : vector<160x160xf32>
    %mul3A_875 = vector.broadcast %convert_element_type3A_873 : vector<1x160xf32> to vector<160x160xf32>
    %mul3A_876 = arith.mulf %mul3A_874, %mul3A_875 : vector<160x160xf32>
    %reduce_max3A_877 = arith.constant dense<0xFF800000> : vector<160xf32>
    %reduce_max3A_878 = vector.multi_reduction <maximumf>, %mul3A_876, %reduce_max3A_877 [1] : vector<160x160xf32> to vector<160xf32>
    %broadcast_in_dim3A_879 = vector.shape_cast %reduce_max3A_878 : vector<160xf32> to vector<160x1xf32>
    %slice3A_880 = vector.extract_strided_slice %convert_element_type3A_556 {offsets = [1, 0, 0], sizes = [1, 160, 1], strides = [1, 1, 1]} : vector<3x160x1xf32> to vector<1x160x1xf32>
    %reshape3A_881 = vector.shape_cast %slice3A_880 : vector<1x160x1xf32> to vector<160x1xf32>
    %sub3A_882 = arith.constant 1.000000e+00 : f32
    %sub3A_883 = vector.broadcast %sub3A_882 : f32 to vector<160x1xf32>
    %sub3A_884 = arith.subf %sub3A_883, %broadcast_in_dim3A_879 : vector<160x1xf32>
    %mul3A_885 = arith.mulf %reshape3A_881, %sub3A_884 : vector<160x1xf32>
    %slice3A_886 = vector.extract_strided_slice %get3A_471 {offsets = [1, 0, 4], sizes = [1, 160, 1], strides = [1, 1, 1]} : vector<3x160x85xf32> to vector<1x160x1xf32>
    %reshape3A_887 = vector.shape_cast %slice3A_886 : vector<1x160x1xf32> to vector<160x1xf32>
    %slice3A_888 = vector.extract_strided_slice %sub3A_708 {offsets = [1, 0, 0], sizes = [1, 160, 1], strides = [1, 1, 1]} : vector<3x160x1xf32> to vector<1x160x1xf32>
    %reshape3A_889 = vector.shape_cast %slice3A_888 : vector<1x160x1xf32> to vector<160x1xf32>
    %max3A_890 = arith.constant 0.000000e+00 : f32
    %max3A_891 = vector.broadcast %max3A_890 : f32 to vector<160x1xf32>
    %max3A_892 = arith.maximumf %reshape3A_889, %max3A_891 : vector<160x1xf32>
    %mul3A_893 = arith.mulf %mul3A_885, %reshape3A_887 : vector<160x1xf32>
    %mul3A_894 = arith.mulf %mul3A_893, %max3A_892 : vector<160x1xf32>
    %reduce_sum3A_895 = vector.shape_cast %mul3A_894 : vector<160x1xf32> to vector<1x160x1xf32>
    %reduce_sum3A_896 = arith.constant dense<0.000000e+00> : vector<1xf32>
    %reduce_sum3A_897 = vector.multi_reduction <add>, %reduce_sum3A_895, %reduce_sum3A_896 [1, 2] : vector<1x160x1xf32> to vector<1xf32>
    %reduce_sum3A_898 = vector.shape_cast %reduce_sum3A_897 : vector<1xf32> to vector<1x1x1xf32>
    %reduce_sum3A_899 = vector.extract %reduce_sum3A_898[0, 0, 0] : f32 from vector<1x1x1xf32>
    %add3A_900 = arith.addf %add3A_853, %reduce_sum3A_899 : f32
    %div3A_901 = arith.constant 3.687500e+00 : f32
    %div3A_902 = vector.broadcast %div3A_901 : f32 to vector<1x160xf32>
    %div3A_903 = arith.divf %mul3A_791, %div3A_902 : vector<1x160xf32>
    %div3A_904 = arith.constant 7.437500e+00 : f32
    %div3A_905 = vector.broadcast %div3A_904 : f32 to vector<1x160xf32>
    %div3A_906 = arith.divf %mul3A_795, %div3A_905 : vector<1x160xf32>
    %div3A_907 = arith.constant 1.000000e+00 : f32
    %div3A_908 = vector.broadcast %div3A_907 : f32 to vector<1x160xf32>
    %div3A_909 = arith.divf %div3A_908, %div3A_903 : vector<1x160xf32>
    %max3A_910 = arith.maximumf %div3A_903, %div3A_909 : vector<1x160xf32>
    %div3A_911 = arith.constant 1.000000e+00 : f32
    %div3A_912 = vector.broadcast %div3A_911 : f32 to vector<1x160xf32>
    %div3A_913 = arith.divf %div3A_912, %div3A_906 : vector<1x160xf32>
    %max3A_914 = arith.maximumf %div3A_906, %div3A_913 : vector<1x160xf32>
    %max3A_915 = arith.maximumf %max3A_910, %max3A_914 : vector<1x160xf32>
    %lt3A_916 = arith.constant 4.000000e+00 : f32
    %lt3A_917 = vector.broadcast %lt3A_916 : f32 to vector<1x160xf32>
    %lt3A_918 = arith.cmpf olt, %max3A_915, %lt3A_917 : vector<1x160xf32>
    %convert_element_type3A_919 = arith.extui %lt3A_918 : vector<1x160xi1> to vector<1x160xi32>
    %convert_element_type3A_920 = arith.sitofp %convert_element_type3A_919 : vector<1x160xi32> to vector<1x160xf32>
    %mul3A_921 = arith.mulf %convert_element_type3A_800, %convert_element_type3A_805 : vector<160x160xf32>
    %mul3A_922 = vector.broadcast %convert_element_type3A_920 : vector<1x160xf32> to vector<160x160xf32>
    %mul3A_923 = arith.mulf %mul3A_921, %mul3A_922 : vector<160x160xf32>
    %reduce_max3A_924 = arith.constant dense<0xFF800000> : vector<160xf32>
    %reduce_max3A_925 = vector.multi_reduction <maximumf>, %mul3A_923, %reduce_max3A_924 [1] : vector<160x160xf32> to vector<160xf32>
    %broadcast_in_dim3A_926 = vector.shape_cast %reduce_max3A_925 : vector<160xf32> to vector<160x1xf32>
    %slice3A_927 = vector.extract_strided_slice %convert_element_type3A_556 {offsets = [2, 0, 0], sizes = [1, 160, 1], strides = [1, 1, 1]} : vector<3x160x1xf32> to vector<1x160x1xf32>
    %reshape3A_928 = vector.shape_cast %slice3A_927 : vector<1x160x1xf32> to vector<160x1xf32>
    %sub3A_929 = arith.constant 1.000000e+00 : f32
    %sub3A_930 = vector.broadcast %sub3A_929 : f32 to vector<160x1xf32>
    %sub3A_931 = arith.subf %sub3A_930, %broadcast_in_dim3A_926 : vector<160x1xf32>
    %mul3A_932 = arith.mulf %reshape3A_928, %sub3A_931 : vector<160x1xf32>
    %slice3A_933 = vector.extract_strided_slice %get3A_471 {offsets = [2, 0, 4], sizes = [1, 160, 1], strides = [1, 1, 1]} : vector<3x160x85xf32> to vector<1x160x1xf32>
    %reshape3A_934 = vector.shape_cast %slice3A_933 : vector<1x160x1xf32> to vector<160x1xf32>
    %slice3A_935 = vector.extract_strided_slice %sub3A_708 {offsets = [2, 0, 0], sizes = [1, 160, 1], strides = [1, 1, 1]} : vector<3x160x1xf32> to vector<1x160x1xf32>
    %reshape3A_936 = vector.shape_cast %slice3A_935 : vector<1x160x1xf32> to vector<160x1xf32>
    %max3A_937 = arith.constant 0.000000e+00 : f32
    %max3A_938 = vector.broadcast %max3A_937 : f32 to vector<160x1xf32>
    %max3A_939 = arith.maximumf %reshape3A_936, %max3A_938 : vector<160x1xf32>
    %mul3A_940 = arith.mulf %mul3A_932, %reshape3A_934 : vector<160x1xf32>
    %mul3A_941 = arith.mulf %mul3A_940, %max3A_939 : vector<160x1xf32>
    %reduce_sum3A_942 = vector.shape_cast %mul3A_941 : vector<160x1xf32> to vector<1x160x1xf32>
    %reduce_sum3A_943 = arith.constant dense<0.000000e+00> : vector<1xf32>
    %reduce_sum3A_944 = vector.multi_reduction <add>, %reduce_sum3A_942, %reduce_sum3A_943 [1, 2] : vector<1x160x1xf32> to vector<1xf32>
    %reduce_sum3A_945 = vector.shape_cast %reduce_sum3A_944 : vector<1xf32> to vector<1x1x1xf32>
    %reduce_sum3A_946 = vector.extract %reduce_sum3A_945[0, 0, 0] : f32 from vector<1x1x1xf32>
    %add3A_947 = arith.addf %add3A_900, %reduce_sum3A_946 : f32
    %swap3A_948 = arith.constant 3 : index
    %swap3A_949 = memref.load %arg10[%swap3A_948] : memref<8xf32, #tpu.memory_space<smem>>
    memref.store %add3A_947, %arg10[%swap3A_948] : memref<8xf32, #tpu.memory_space<smem>>
    %scan3A_950 = arith.constant 0 : i32
    %scan3A_951 = arith.constant 160 : i32
    %scan3A_952 = arith.addi %scan3A_950, %scan3A_951 : i32
    %scan3A_953 = arith.constant 1 : i32
    scf.for %scan3A_1531 = %scan3A_950 to %scan3A_952 step %scan3A_953  : i32 {
      %get3A_1532 = arith.index_cast %scan3A_1531 : i32 to index
      %get3A_1533 = arith.constant 2 : index
      %get3A_1534 = memref.load %arg1[%get3A_1532, %get3A_1533] : memref<160x6xf32, #tpu.memory_space<smem>>
      %mul3A_1535 = arith.constant 6.400000e+01 : f32
      %mul3A_1536 = arith.mulf %get3A_1534, %mul3A_1535 : f32
      %convert_element_type3A_1537 = arith.fptosi %mul3A_1536 : f32 to i32
      %jit3A_1538 = arith.constant 0 : i32
      %jit3A_1539 = arith.constant 63 : i32
      %max3A_1540 = arith.maxsi %jit3A_1538, %convert_element_type3A_1537 : i32
      %min3A_1541 = arith.minsi %jit3A_1539, %max3A_1540 : i32
      %get3A_1542 = arith.index_cast %scan3A_1531 : i32 to index
      %get3A_1543 = arith.constant 3 : index
      %get3A_1544 = memref.load %arg1[%get3A_1542, %get3A_1543] : memref<160x6xf32, #tpu.memory_space<smem>>
      %mul3A_1545 = arith.constant 6.400000e+01 : f32
      %mul3A_1546 = arith.mulf %get3A_1544, %mul3A_1545 : f32
      %convert_element_type3A_1547 = arith.fptosi %mul3A_1546 : f32 to i32
      %jit3A_1548 = arith.constant 0 : i32
      %jit3A_1549 = arith.constant 63 : i32
      %max3A_1550 = arith.maxsi %jit3A_1548, %convert_element_type3A_1547 : i32
      %min3A_1551 = arith.minsi %jit3A_1549, %max3A_1550 : i32
      %mul3A_1552 = arith.constant 64 : i32
      %mul3A_1553 = arith.muli %min3A_1551, %mul3A_1552 : i32
      %add3A_1554 = arith.addi %mul3A_1553, %min3A_1541 : i32
      %add3A_1555 = arith.constant 0 : i32
      %add3A_1556 = arith.addi %add3A_1555, %add3A_1554 : i32
      %get3A_1557 = arith.index_cast %add3A_1556 : i32 to index
      %get3A_1558 = arith.constant 0 : index
      %get3A_1559 = vector.load %arg5[%get3A_1557, %get3A_1558] : memref<12288x85xf32, #tpu.memory_space<vmem>>, vector<1x85xf32>
      %swap3A_1560 = arith.constant 0 : index
      %swap3A_1561 = arith.index_cast %scan3A_1531 : i32 to index
      %swap3A_1562 = arith.constant 0 : index
      %swap3A_1563 = vector.load %arg9[%swap3A_1560, %swap3A_1561, %swap3A_1562] : memref<3x160x85xf32, #tpu.memory_space<vmem>>, vector<1x1x85xf32>
      %swap3A_1564 = vector.shape_cast %swap3A_1563 : vector<1x1x85xf32> to vector<1x85xf32>
      %swap3A_1565 = vector.shape_cast %get3A_1559 : vector<1x85xf32> to vector<1x1x85xf32>
      tpu.vector_store %arg9[%swap3A_1560, %swap3A_1561, %swap3A_1562], %swap3A_1565 {strides = array<i32>} : memref<3x160x85xf32, #tpu.memory_space<vmem>>, vector<1x1x85xf32>,
      %add3A_1566 = arith.constant 4096 : i32
      %add3A_1567 = arith.addi %add3A_1566, %add3A_1554 : i32
      %get3A_1568 = arith.index_cast %add3A_1567 : i32 to index
      %get3A_1569 = arith.constant 0 : index
      %get3A_1570 = vector.load %arg5[%get3A_1568, %get3A_1569] : memref<12288x85xf32, #tpu.memory_space<vmem>>, vector<1x85xf32>
      %swap3A_1571 = arith.constant 1 : index
      %swap3A_1572 = arith.index_cast %scan3A_1531 : i32 to index
      %swap3A_1573 = arith.constant 0 : index
      %swap3A_1574 = vector.load %arg9[%swap3A_1571, %swap3A_1572, %swap3A_1573] : memref<3x160x85xf32, #tpu.memory_space<vmem>>, vector<1x1x85xf32>
      %swap3A_1575 = vector.shape_cast %swap3A_1574 : vector<1x1x85xf32> to vector<1x85xf32>
      %swap3A_1576 = vector.shape_cast %get3A_1570 : vector<1x85xf32> to vector<1x1x85xf32>
      tpu.vector_store %arg9[%swap3A_1571, %swap3A_1572, %swap3A_1573], %swap3A_1576 {strides = array<i32>} : memref<3x160x85xf32, #tpu.memory_space<vmem>>, vector<1x1x85xf32>,
      %add3A_1577 = arith.constant 8192 : i32
      %add3A_1578 = arith.addi %add3A_1577, %add3A_1554 : i32
      %get3A_1579 = arith.index_cast %add3A_1578 : i32 to index
      %get3A_1580 = arith.constant 0 : index
      %get3A_1581 = vector.load %arg5[%get3A_1579, %get3A_1580] : memref<12288x85xf32, #tpu.memory_space<vmem>>, vector<1x85xf32>
      %swap3A_1582 = arith.constant 2 : index
      %swap3A_1583 = arith.index_cast %scan3A_1531 : i32 to index
      %swap3A_1584 = arith.constant 0 : index
      %swap3A_1585 = vector.load %arg9[%swap3A_1582, %swap3A_1583, %swap3A_1584] : memref<3x160x85xf32, #tpu.memory_space<vmem>>, vector<1x1x85xf32>
      %swap3A_1586 = vector.shape_cast %swap3A_1585 : vector<1x1x85xf32> to vector<1x85xf32>
      %swap3A_1587 = vector.shape_cast %get3A_1581 : vector<1x85xf32> to vector<1x1x85xf32>
      tpu.vector_store %arg9[%swap3A_1582, %swap3A_1583, %swap3A_1584], %swap3A_1587 {strides = array<i32>} : memref<3x160x85xf32, #tpu.memory_space<vmem>>, vector<1x1x85xf32>,
    }
    %scan3A_954 = arith.constant 160 : i32
    %get3A_955 = arith.constant 0 : index
    %get3A_956 = arith.constant 0 : index
    %get3A_957 = arith.constant 0 : index
    %get3A_958 = vector.load %arg9[%get3A_955, %get3A_956, %get3A_957] : memref<3x160x85xf32, #tpu.memory_space<vmem>>, vector<3x160x85xf32>
    %slice3A_959 = vector.extract_strided_slice %get3A_1 {offsets = [0, 2], sizes = [160, 1], strides = [1, 1]} : vector<160x6xf32> to vector<160x1xf32>
    %mul3A_960 = arith.constant 6.400000e+01 : f32
    %mul3A_961 = vector.broadcast %mul3A_960 : f32 to vector<160x1xf32>
    %mul3A_962 = arith.mulf %slice3A_959, %mul3A_961 : vector<160x1xf32>
    %slice3A_963 = vector.extract_strided_slice %get3A_1 {offsets = [0, 3], sizes = [160, 1], strides = [1, 1]} : vector<160x6xf32> to vector<160x1xf32>
    %mul3A_964 = arith.constant 6.400000e+01 : f32
    %mul3A_965 = vector.broadcast %mul3A_964 : f32 to vector<160x1xf32>
    %mul3A_966 = arith.mulf %slice3A_963, %mul3A_965 : vector<160x1xf32>
    %slice3A_967 = vector.extract_strided_slice %get3A_1 {offsets = [0, 4], sizes = [160, 1], strides = [1, 1]} : vector<160x6xf32> to vector<160x1xf32>
    %mul3A_968 = arith.constant 6.400000e+01 : f32
    %mul3A_969 = vector.broadcast %mul3A_968 : f32 to vector<160x1xf32>
    %mul3A_970 = arith.mulf %slice3A_967, %mul3A_969 : vector<160x1xf32>
    %slice3A_971 = vector.extract_strided_slice %get3A_1 {offsets = [0, 5], sizes = [160, 1], strides = [1, 1]} : vector<160x6xf32> to vector<160x1xf32>
    %mul3A_972 = arith.constant 6.400000e+01 : f32
    %mul3A_973 = vector.broadcast %mul3A_972 : f32 to vector<160x1xf32>
    %mul3A_974 = arith.mulf %slice3A_971, %mul3A_973 : vector<160x1xf32>
    %floor3A_975 = math.floor %mul3A_962 : vector<160x1xf32>
    %jit3A_976 = arith.constant 0.000000e+00 : f32
    %jit3A_977 = arith.constant 6.300000e+01 : f32
    %max3A_978 = vector.broadcast %jit3A_976 : f32 to vector<160x1xf32>
    %max3A_979 = arith.maximumf %max3A_978, %floor3A_975 : vector<160x1xf32>
    %min3A_980 = vector.broadcast %jit3A_977 : f32 to vector<160x1xf32>
    %min3A_981 = arith.minimumf %min3A_980, %max3A_979 : vector<160x1xf32>
    %floor3A_982 = math.floor %mul3A_966 : vector<160x1xf32>
    %jit3A_983 = arith.constant 0.000000e+00 : f32
    %jit3A_984 = arith.constant 6.300000e+01 : f32
    %max3A_985 = vector.broadcast %jit3A_983 : f32 to vector<160x1xf32>
    %max3A_986 = arith.maximumf %max3A_985, %floor3A_982 : vector<160x1xf32>
    %min3A_987 = vector.broadcast %jit3A_984 : f32 to vector<160x1xf32>
    %min3A_988 = arith.minimumf %min3A_987, %max3A_986 : vector<160x1xf32>
    %sub3A_989 = arith.subf %mul3A_962, %min3A_981 : vector<160x1xf32>
    %reshape3A_990 = vector.shape_cast %sub3A_989 : vector<160x1xf32> to vector<1x160x1xf32>
    %sub3A_991 = arith.subf %mul3A_966, %min3A_988 : vector<160x1xf32>
    %reshape3A_992 = vector.shape_cast %sub3A_991 : vector<160x1xf32> to vector<1x160x1xf32>
    %reshape3A_993 = vector.shape_cast %mul3A_970 : vector<160x1xf32> to vector<1x160x1xf32>
    %reshape3A_994 = vector.shape_cast %mul3A_974 : vector<160x1xf32> to vector<1x160x1xf32>
    %iota3A_995 = tpu.iota {dimensions = array<i32: 0>} : vector<3x1x1xi32>
    %eq3A_996 = arith.constant 0 : i32
    %eq3A_997 = vector.broadcast %eq3A_996 : i32 to vector<3x1x1xi32>
    %eq3A_998 = arith.cmpi eq, %iota3A_995, %eq3A_997 : vector<3x1x1xi32>
    %eq3A_999 = arith.constant 1 : i32
    %eq3A_1000 = vector.broadcast %eq3A_999 : i32 to vector<3x1x1xi32>
    %eq3A_1001 = arith.cmpi eq, %iota3A_995, %eq3A_1000 : vector<3x1x1xi32>
    %jit3A_1002 = arith.constant 2.000000e+00 : f32
    %jit3A_1003 = arith.constant 4.125000e+00 : f32
    %broadcast_in_dim3A_1004 = vector.broadcast %jit3A_1002 : f32 to vector<3x1x1xf32>
    %broadcast_in_dim3A_1005 = vector.broadcast %jit3A_1003 : f32 to vector<3x1x1xf32>
    %select_n3A_1006 = arith.select %eq3A_1001, %broadcast_in_dim3A_1004, %broadcast_in_dim3A_1005 : vector<3x1x1xi1>, vector<3x1x1xf32>
    %jit3A_1007 = arith.constant 1.250000e+00 : f32
    %broadcast_in_dim3A_1008 = vector.broadcast %jit3A_1007 : f32 to vector<3x1x1xf32>
    %select_n3A_1009 = arith.select %eq3A_998, %broadcast_in_dim3A_1008, %select_n3A_1006 : vector<3x1x1xi1>, vector<3x1x1xf32>
    %eq3A_1010 = arith.constant 0 : i32
    %eq3A_1011 = vector.broadcast %eq3A_1010 : i32 to vector<3x1x1xi32>
    %eq3A_1012 = arith.cmpi eq, %iota3A_995, %eq3A_1011 : vector<3x1x1xi32>
    %eq3A_1013 = arith.constant 1 : i32
    %eq3A_1014 = vector.broadcast %eq3A_1013 : i32 to vector<3x1x1xi32>
    %eq3A_1015 = arith.cmpi eq, %iota3A_995, %eq3A_1014 : vector<3x1x1xi32>
    %jit3A_1016 = arith.constant 3.750000e+00 : f32
    %jit3A_1017 = arith.constant 2.875000e+00 : f32
    %broadcast_in_dim3A_1018 = vector.broadcast %jit3A_1016 : f32 to vector<3x1x1xf32>
    %broadcast_in_dim3A_1019 = vector.broadcast %jit3A_1017 : f32 to vector<3x1x1xf32>
    %select_n3A_1020 = arith.select %eq3A_1015, %broadcast_in_dim3A_1018, %broadcast_in_dim3A_1019 : vector<3x1x1xi1>, vector<3x1x1xf32>
    %jit3A_1021 = arith.constant 1.625000e+00 : f32
    %broadcast_in_dim3A_1022 = vector.broadcast %jit3A_1021 : f32 to vector<3x1x1xf32>
    %select_n3A_1023 = arith.select %eq3A_1012, %broadcast_in_dim3A_1022, %select_n3A_1020 : vector<3x1x1xi1>, vector<3x1x1xf32>
    %div3A_1024 = vector.broadcast %reshape3A_993 : vector<1x160x1xf32> to vector<3x160x1xf32>
    %div3A_1025 = vector.broadcast %select_n3A_1009 : vector<3x1x1xf32> to vector<3x160x1xf32>
    %div3A_1026 = arith.divf %div3A_1024, %div3A_1025 : vector<3x160x1xf32>
    %div3A_1027 = vector.broadcast %reshape3A_994 : vector<1x160x1xf32> to vector<3x160x1xf32>
    %div3A_1028 = vector.broadcast %select_n3A_1023 : vector<3x1x1xf32> to vector<3x160x1xf32>
    %div3A_1029 = arith.divf %div3A_1027, %div3A_1028 : vector<3x160x1xf32>
    %div3A_1030 = arith.constant 1.000000e+00 : f32
    %div3A_1031 = vector.broadcast %div3A_1030 : f32 to vector<3x160x1xf32>
    %div3A_1032 = arith.divf %div3A_1031, %div3A_1026 : vector<3x160x1xf32>
    %max3A_1033 = arith.maximumf %div3A_1026, %div3A_1032 : vector<3x160x1xf32>
    %div3A_1034 = arith.constant 1.000000e+00 : f32
    %div3A_1035 = vector.broadcast %div3A_1034 : f32 to vector<3x160x1xf32>
    %div3A_1036 = arith.divf %div3A_1035, %div3A_1029 : vector<3x160x1xf32>
    %max3A_1037 = arith.maximumf %div3A_1029, %div3A_1036 : vector<3x160x1xf32>
    %max3A_1038 = arith.maximumf %max3A_1033, %max3A_1037 : vector<3x160x1xf32>
    %lt3A_1039 = arith.constant 4.000000e+00 : f32
    %lt3A_1040 = vector.broadcast %lt3A_1039 : f32 to vector<3x160x1xf32>
    %lt3A_1041 = arith.cmpf olt, %max3A_1038, %lt3A_1040 : vector<3x160x1xf32>
    %convert_element_type3A_1042 = arith.extui %lt3A_1041 : vector<3x160x1xi1> to vector<3x160x1xi32>
    %convert_element_type3A_1043 = arith.sitofp %convert_element_type3A_1042 : vector<3x160x1xi32> to vector<3x160x1xf32>
    %reduce_sum3A_1044 = vector.shape_cast %convert_element_type3A_1043 : vector<3x160x1xf32> to vector<1x3x160x1xf32>
    %reduce_sum3A_1045 = arith.constant dense<0.000000e+00> : vector<1xf32>
    %reduce_sum3A_1046 = vector.multi_reduction <add>, %reduce_sum3A_1044, %reduce_sum3A_1045 [1, 2, 3] : vector<1x3x160x1xf32> to vector<1xf32>
    %reduce_sum3A_1047 = vector.shape_cast %reduce_sum3A_1046 : vector<1xf32> to vector<1x1x1x1xf32>
    %reduce_sum3A_1048 = vector.extract %reduce_sum3A_1047[0, 0, 0, 0] : f32 from vector<1x1x1x1xf32>
    %max3A_1049 = arith.constant 1.000000e+00 : f32
    %max3A_1050 = arith.maximumf %reduce_sum3A_1048, %max3A_1049 : f32
    %slice3A_1051 = vector.extract_strided_slice %get3A_958 {offsets = [0, 0, 0], sizes = [3, 160, 1], strides = [1, 1, 1]} : vector<3x160x85xf32> to vector<3x160x1xf32>
    %logistic3A_1052 = arith.negf %slice3A_1051 : vector<3x160x1xf32>
    %logistic3A_1053 = math.exp %logistic3A_1052 : vector<3x160x1xf32>
    %logistic3A_1054 = arith.constant 1.000000e+00 : f32
    %logistic3A_1055 = vector.broadcast %logistic3A_1054 : f32 to vector<3x160x1xf32>
    %logistic3A_1056 = arith.addf %logistic3A_1055, %logistic3A_1053 : vector<3x160x1xf32>
    %logistic3A_1057 = arith.divf %logistic3A_1055, %logistic3A_1056 : vector<3x160x1xf32>
    %slice3A_1058 = vector.extract_strided_slice %get3A_958 {offsets = [0, 0, 1], sizes = [3, 160, 1], strides = [1, 1, 1]} : vector<3x160x85xf32> to vector<3x160x1xf32>
    %logistic3A_1059 = arith.negf %slice3A_1058 : vector<3x160x1xf32>
    %logistic3A_1060 = math.exp %logistic3A_1059 : vector<3x160x1xf32>
    %logistic3A_1061 = arith.constant 1.000000e+00 : f32
    %logistic3A_1062 = vector.broadcast %logistic3A_1061 : f32 to vector<3x160x1xf32>
    %logistic3A_1063 = arith.addf %logistic3A_1062, %logistic3A_1060 : vector<3x160x1xf32>
    %logistic3A_1064 = arith.divf %logistic3A_1062, %logistic3A_1063 : vector<3x160x1xf32>
    %slice3A_1065 = vector.extract_strided_slice %get3A_958 {offsets = [0, 0, 2], sizes = [3, 160, 1], strides = [1, 1, 1]} : vector<3x160x85xf32> to vector<3x160x1xf32>
    %exp3A_1066 = math.exp %slice3A_1065 : vector<3x160x1xf32>
    %mul3A_1067 = vector.broadcast %select_n3A_1009 : vector<3x1x1xf32> to vector<3x160x1xf32>
    %mul3A_1068 = arith.mulf %exp3A_1066, %mul3A_1067 : vector<3x160x1xf32>
    %slice3A_1069 = vector.extract_strided_slice %get3A_958 {offsets = [0, 0, 3], sizes = [3, 160, 1], strides = [1, 1, 1]} : vector<3x160x85xf32> to vector<3x160x1xf32>
    %exp3A_1070 = math.exp %slice3A_1069 : vector<3x160x1xf32>
    %mul3A_1071 = vector.broadcast %select_n3A_1023 : vector<3x1x1xf32> to vector<3x160x1xf32>
    %mul3A_1072 = arith.mulf %exp3A_1070, %mul3A_1071 : vector<3x160x1xf32>
    %div3A_1073 = arith.constant 2.000000e+00 : f32
    %div3A_1074 = vector.broadcast %div3A_1073 : f32 to vector<3x160x1xf32>
    %div3A_1075 = arith.divf %mul3A_1068, %div3A_1074 : vector<3x160x1xf32>
    %sub3A_1076 = arith.subf %logistic3A_1057, %div3A_1075 : vector<3x160x1xf32>
    %div3A_1077 = arith.constant 2.000000e+00 : f32
    %div3A_1078 = vector.broadcast %div3A_1077 : f32 to vector<3x160x1xf32>
    %div3A_1079 = arith.divf %mul3A_1068, %div3A_1078 : vector<3x160x1xf32>
    %add3A_1080 = arith.addf %logistic3A_1057, %div3A_1079 : vector<3x160x1xf32>
    %div3A_1081 = arith.constant 2.000000e+00 : f32
    %div3A_1082 = vector.broadcast %div3A_1081 : f32 to vector<3x160x1xf32>
    %div3A_1083 = arith.divf %mul3A_1072, %div3A_1082 : vector<3x160x1xf32>
    %sub3A_1084 = arith.subf %logistic3A_1064, %div3A_1083 : vector<3x160x1xf32>
    %div3A_1085 = arith.constant 2.000000e+00 : f32
    %div3A_1086 = vector.broadcast %div3A_1085 : f32 to vector<3x160x1xf32>
    %div3A_1087 = arith.divf %mul3A_1072, %div3A_1086 : vector<3x160x1xf32>
    %add3A_1088 = arith.addf %logistic3A_1064, %div3A_1087 : vector<3x160x1xf32>
    %div3A_1089 = arith.constant 2.000000e+00 : f32
    %div3A_1090 = vector.broadcast %div3A_1089 : f32 to vector<1x160x1xf32>
    %div3A_1091 = arith.divf %reshape3A_993, %div3A_1090 : vector<1x160x1xf32>
    %sub3A_1092 = arith.subf %reshape3A_990, %div3A_1091 : vector<1x160x1xf32>
    %div3A_1093 = arith.constant 2.000000e+00 : f32
    %div3A_1094 = vector.broadcast %div3A_1093 : f32 to vector<1x160x1xf32>
    %div3A_1095 = arith.divf %reshape3A_993, %div3A_1094 : vector<1x160x1xf32>
    %add3A_1096 = arith.addf %reshape3A_990, %div3A_1095 : vector<1x160x1xf32>
    %div3A_1097 = arith.constant 2.000000e+00 : f32
    %div3A_1098 = vector.broadcast %div3A_1097 : f32 to vector<1x160x1xf32>
    %div3A_1099 = arith.divf %reshape3A_994, %div3A_1098 : vector<1x160x1xf32>
    %sub3A_1100 = arith.subf %reshape3A_992, %div3A_1099 : vector<1x160x1xf32>
    %div3A_1101 = arith.constant 2.000000e+00 : f32
    %div3A_1102 = vector.broadcast %div3A_1101 : f32 to vector<1x160x1xf32>
    %div3A_1103 = arith.divf %reshape3A_994, %div3A_1102 : vector<1x160x1xf32>
    %add3A_1104 = arith.addf %reshape3A_992, %div3A_1103 : vector<1x160x1xf32>
    %min3A_1105 = vector.broadcast %add3A_1096 : vector<1x160x1xf32> to vector<3x160x1xf32>
    %min3A_1106 = arith.minimumf %add3A_1080, %min3A_1105 : vector<3x160x1xf32>
    %max3A_1107 = vector.broadcast %sub3A_1092 : vector<1x160x1xf32> to vector<3x160x1xf32>
    %max3A_1108 = arith.maximumf %sub3A_1076, %max3A_1107 : vector<3x160x1xf32>
    %sub3A_1109 = arith.subf %min3A_1106, %max3A_1108 : vector<3x160x1xf32>
    %jit3A_1110 = arith.constant 0 : i32
    %convert_element_type3A_1111 = arith.sitofp %jit3A_1110 : i32 to f32
    %max3A_1112 = vector.broadcast %convert_element_type3A_1111 : f32 to vector<3x160x1xf32>
    %max3A_1113 = arith.maximumf %max3A_1112, %sub3A_1109 : vector<3x160x1xf32>
    %min3A_1114 = vector.broadcast %add3A_1104 : vector<1x160x1xf32> to vector<3x160x1xf32>
    %min3A_1115 = arith.minimumf %add3A_1088, %min3A_1114 : vector<3x160x1xf32>
    %max3A_1116 = vector.broadcast %sub3A_1100 : vector<1x160x1xf32> to vector<3x160x1xf32>
    %max3A_1117 = arith.maximumf %sub3A_1084, %max3A_1116 : vector<3x160x1xf32>
    %sub3A_1118 = arith.subf %min3A_1115, %max3A_1117 : vector<3x160x1xf32>
    %jit3A_1119 = arith.constant 0 : i32
    %convert_element_type3A_1120 = arith.sitofp %jit3A_1119 : i32 to f32
    %max3A_1121 = vector.broadcast %convert_element_type3A_1120 : f32 to vector<3x160x1xf32>
    %max3A_1122 = arith.maximumf %max3A_1121, %sub3A_1118 : vector<3x160x1xf32>
    %mul3A_1123 = arith.mulf %max3A_1113, %max3A_1122 : vector<3x160x1xf32>
    %sub3A_1124 = arith.subf %add3A_1080, %sub3A_1076 : vector<3x160x1xf32>
    %sub3A_1125 = arith.subf %add3A_1088, %sub3A_1084 : vector<3x160x1xf32>
    %add3A_1126 = arith.constant 9.99999971E-10 : f32
    %add3A_1127 = vector.broadcast %add3A_1126 : f32 to vector<3x160x1xf32>
    %add3A_1128 = arith.addf %sub3A_1125, %add3A_1127 : vector<3x160x1xf32>
    %sub3A_1129 = arith.subf %add3A_1096, %sub3A_1092 : vector<1x160x1xf32>
    %sub3A_1130 = arith.subf %add3A_1104, %sub3A_1100 : vector<1x160x1xf32>
    %add3A_1131 = arith.constant 9.99999971E-10 : f32
    %add3A_1132 = vector.broadcast %add3A_1131 : f32 to vector<1x160x1xf32>
    %add3A_1133 = arith.addf %sub3A_1130, %add3A_1132 : vector<1x160x1xf32>
    %mul3A_1134 = arith.mulf %sub3A_1124, %add3A_1128 : vector<3x160x1xf32>
    %mul3A_1135 = arith.mulf %sub3A_1129, %add3A_1133 : vector<1x160x1xf32>
    %add3A_1136 = vector.broadcast %mul3A_1135 : vector<1x160x1xf32> to vector<3x160x1xf32>
    %add3A_1137 = arith.addf %mul3A_1134, %add3A_1136 : vector<3x160x1xf32>
    %sub3A_1138 = arith.subf %add3A_1137, %mul3A_1123 : vector<3x160x1xf32>
    %add3A_1139 = arith.constant 9.99999971E-10 : f32
    %add3A_1140 = vector.broadcast %add3A_1139 : f32 to vector<3x160x1xf32>
    %add3A_1141 = arith.addf %sub3A_1138, %add3A_1140 : vector<3x160x1xf32>
    %div3A_1142 = arith.divf %mul3A_1123, %add3A_1141 : vector<3x160x1xf32>
    %max3A_1143 = vector.broadcast %add3A_1096 : vector<1x160x1xf32> to vector<3x160x1xf32>
    %max3A_1144 = arith.maximumf %add3A_1080, %max3A_1143 : vector<3x160x1xf32>
    %min3A_1145 = vector.broadcast %sub3A_1092 : vector<1x160x1xf32> to vector<3x160x1xf32>
    %min3A_1146 = arith.minimumf %sub3A_1076, %min3A_1145 : vector<3x160x1xf32>
    %sub3A_1147 = arith.subf %max3A_1144, %min3A_1146 : vector<3x160x1xf32>
    %max3A_1148 = vector.broadcast %add3A_1104 : vector<1x160x1xf32> to vector<3x160x1xf32>
    %max3A_1149 = arith.maximumf %add3A_1088, %max3A_1148 : vector<3x160x1xf32>
    %min3A_1150 = vector.broadcast %sub3A_1100 : vector<1x160x1xf32> to vector<3x160x1xf32>
    %min3A_1151 = arith.minimumf %sub3A_1084, %min3A_1150 : vector<3x160x1xf32>
    %sub3A_1152 = arith.subf %max3A_1149, %min3A_1151 : vector<3x160x1xf32>
    %integer_pow3A_1153 = arith.mulf %sub3A_1147, %sub3A_1147 : vector<3x160x1xf32>
    %integer_pow3A_1154 = arith.mulf %sub3A_1152, %sub3A_1152 : vector<3x160x1xf32>
    %add3A_1155 = arith.addf %integer_pow3A_1153, %integer_pow3A_1154 : vector<3x160x1xf32>
    %add3A_1156 = arith.constant 9.99999971E-10 : f32
    %add3A_1157 = vector.broadcast %add3A_1156 : f32 to vector<3x160x1xf32>
    %add3A_1158 = arith.addf %add3A_1155, %add3A_1157 : vector<3x160x1xf32>
    %add3A_1159 = arith.addf %sub3A_1092, %add3A_1096 : vector<1x160x1xf32>
    %sub3A_1160 = vector.broadcast %add3A_1159 : vector<1x160x1xf32> to vector<3x160x1xf32>
    %sub3A_1161 = arith.subf %sub3A_1160, %sub3A_1076 : vector<3x160x1xf32>
    %sub3A_1162 = arith.subf %sub3A_1161, %add3A_1080 : vector<3x160x1xf32>
    %integer_pow3A_1163 = arith.mulf %sub3A_1162, %sub3A_1162 : vector<3x160x1xf32>
    %add3A_1164 = arith.addf %sub3A_1100, %add3A_1104 : vector<1x160x1xf32>
    %sub3A_1165 = vector.broadcast %add3A_1164 : vector<1x160x1xf32> to vector<3x160x1xf32>
    %sub3A_1166 = arith.subf %sub3A_1165, %sub3A_1084 : vector<3x160x1xf32>
    %sub3A_1167 = arith.subf %sub3A_1166, %add3A_1088 : vector<3x160x1xf32>
    %integer_pow3A_1168 = arith.mulf %sub3A_1167, %sub3A_1167 : vector<3x160x1xf32>
    %add3A_1169 = arith.addf %integer_pow3A_1163, %integer_pow3A_1168 : vector<3x160x1xf32>
    %div3A_1170 = arith.constant 4.000000e+00 : f32
    %div3A_1171 = vector.broadcast %div3A_1170 : f32 to vector<3x160x1xf32>
    %div3A_1172 = arith.divf %add3A_1169, %div3A_1171 : vector<3x160x1xf32>
    %div3A_1173 = arith.divf %sub3A_1129, %add3A_1133 : vector<1x160x1xf32>
    %atan23A_1174 = arith.constant 1.000000e+00 : f32
    %atan23A_1175 = vector.broadcast %atan23A_1174 : f32 to vector<1x160x1xf32>
    %atan23A_1176 = math.atan2 %div3A_1173, %atan23A_1175 : vector<1x160x1xf32>
    %div3A_1177 = arith.divf %sub3A_1124, %add3A_1128 : vector<3x160x1xf32>
    %atan23A_1178 = arith.constant 1.000000e+00 : f32
    %atan23A_1179 = vector.broadcast %atan23A_1178 : f32 to vector<3x160x1xf32>
    %atan23A_1180 = math.atan2 %div3A_1177, %atan23A_1179 : vector<3x160x1xf32>
    %sub3A_1181 = vector.broadcast %atan23A_1176 : vector<1x160x1xf32> to vector<3x160x1xf32>
    %sub3A_1182 = arith.subf %sub3A_1181, %atan23A_1180 : vector<3x160x1xf32>
    %integer_pow3A_1183 = arith.mulf %sub3A_1182, %sub3A_1182 : vector<3x160x1xf32>
    %mul3A_1184 = arith.constant 0.405284733 : f32
    %mul3A_1185 = vector.broadcast %mul3A_1184 : f32 to vector<3x160x1xf32>
    %mul3A_1186 = arith.mulf %mul3A_1185, %integer_pow3A_1183 : vector<3x160x1xf32>
    %sub3A_1187 = arith.constant 1.000000e+00 : f32
    %sub3A_1188 = vector.broadcast %sub3A_1187 : f32 to vector<3x160x1xf32>
    %sub3A_1189 = arith.subf %sub3A_1188, %div3A_1142 : vector<3x160x1xf32>
    %add3A_1190 = arith.addf %sub3A_1189, %mul3A_1186 : vector<3x160x1xf32>
    %div3A_1191 = arith.divf %mul3A_1186, %add3A_1190 : vector<3x160x1xf32>
    %div3A_1192 = arith.divf %div3A_1172, %add3A_1158 : vector<3x160x1xf32>
    %mul3A_1193 = arith.mulf %mul3A_1186, %div3A_1191 : vector<3x160x1xf32>
    %add3A_1194 = arith.addf %div3A_1192, %mul3A_1193 : vector<3x160x1xf32>
    %sub3A_1195 = arith.subf %div3A_1142, %add3A_1194 : vector<3x160x1xf32>
    %sub3A_1196 = arith.constant 1.000000e+00 : f32
    %sub3A_1197 = vector.broadcast %sub3A_1196 : f32 to vector<3x160x1xf32>
    %sub3A_1198 = arith.subf %sub3A_1197, %sub3A_1195 : vector<3x160x1xf32>
    %mul3A_1199 = arith.mulf %sub3A_1198, %convert_element_type3A_1043 : vector<3x160x1xf32>
    %reduce_sum3A_1200 = vector.shape_cast %mul3A_1199 : vector<3x160x1xf32> to vector<1x3x160x1xf32>
    %reduce_sum3A_1201 = arith.constant dense<0.000000e+00> : vector<1xf32>
    %reduce_sum3A_1202 = vector.multi_reduction <add>, %reduce_sum3A_1200, %reduce_sum3A_1201 [1, 2, 3] : vector<1x3x160x1xf32> to vector<1xf32>
    %reduce_sum3A_1203 = vector.shape_cast %reduce_sum3A_1202 : vector<1xf32> to vector<1x1x1x1xf32>
    %reduce_sum3A_1204 = vector.extract %reduce_sum3A_1203[0, 0, 0, 0] : f32 from vector<1x1x1x1xf32>
    %div3A_1205 = arith.divf %reduce_sum3A_1204, %max3A_1050 : f32
    %add3A_1206 = arith.addf %add3A_719, %div3A_1205 : f32
    %slice3A_1207 = vector.extract_strided_slice %get3A_1 {offsets = [0, 1], sizes = [160, 1], strides = [1, 1]} : vector<160x6xf32> to vector<160x1xf32>
    %convert_element_type3A_1208 = arith.fptosi %slice3A_1207 : vector<160x1xf32> to vector<160x1xi32>
    %reshape3A_1209 = vector.shape_cast %convert_element_type3A_1208 : vector<160x1xi32> to vector<1x160x1xi32>
    %iota3A_1210 = tpu.iota {dimensions = array<i32: 2>} : vector<1x160x80xi32>
    %eq3A_1211 = vector.broadcast %reshape3A_1209 : vector<1x160x1xi32> to vector<1x160x80xi32>
    %eq3A_1212 = arith.cmpi eq, %iota3A_1210, %eq3A_1211 : vector<1x160x80xi32>
    %convert_element_type3A_1213 = arith.extui %eq3A_1212 : vector<1x160x80xi1> to vector<1x160x80xi32>
    %convert_element_type3A_1214 = arith.sitofp %convert_element_type3A_1213 : vector<1x160x80xi32> to vector<1x160x80xf32>
    %slice3A_1215 = vector.extract_strided_slice %get3A_958 {offsets = [0, 0, 5], sizes = [3, 160, 80], strides = [1, 1, 1]} : vector<3x160x85xf32> to vector<3x160x80xf32>
    %max3A_1216 = arith.constant 0.000000e+00 : f32
    %max3A_1217 = vector.broadcast %max3A_1216 : f32 to vector<3x160x80xf32>
    %max3A_1218 = arith.maximumf %slice3A_1215, %max3A_1217 : vector<3x160x80xf32>
    %abs3A_1219 = math.absf %slice3A_1215 : vector<3x160x80xf32>
    %neg3A_1220 = arith.constant 0.000000e+00 : f32
    %neg3A_1221 = vector.broadcast %neg3A_1220 : f32 to vector<3x160x80xf32>
    %neg3A_1222 = arith.subf %neg3A_1221, %abs3A_1219 : vector<3x160x80xf32>
    %exp3A_1223 = math.exp %neg3A_1222 : vector<3x160x80xf32>
    %log1p3A_1224 = math.log1p %exp3A_1223 : vector<3x160x80xf32>
    %add3A_1225 = arith.addf %max3A_1218, %log1p3A_1224 : vector<3x160x80xf32>
    %reduce_sum3A_1226 = arith.constant dense<0.000000e+00> : vector<3x160xf32>
    %reduce_sum3A_1227 = vector.multi_reduction <add>, %add3A_1225, %reduce_sum3A_1226 [2] : vector<3x160x80xf32> to vector<3x160xf32>
    %broadcast_in_dim3A_1228 = vector.shape_cast %reduce_sum3A_1227 : vector<3x160xf32> to vector<3x160x1xf32>
    %mul3A_1229 = vector.broadcast %convert_element_type3A_1214 : vector<1x160x80xf32> to vector<3x160x80xf32>
    %mul3A_1230 = arith.mulf %slice3A_1215, %mul3A_1229 : vector<3x160x80xf32>
    %reduce_sum3A_1231 = arith.constant dense<0.000000e+00> : vector<3x160xf32>
    %reduce_sum3A_1232 = vector.multi_reduction <add>, %mul3A_1230, %reduce_sum3A_1231 [2] : vector<3x160x80xf32> to vector<3x160xf32>
    %broadcast_in_dim3A_1233 = vector.shape_cast %reduce_sum3A_1232 : vector<3x160xf32> to vector<3x160x1xf32>
    %sub3A_1234 = arith.subf %broadcast_in_dim3A_1228, %broadcast_in_dim3A_1233 : vector<3x160x1xf32>
    %mul3A_1235 = arith.mulf %convert_element_type3A_1043, %sub3A_1234 : vector<3x160x1xf32>
    %reduce_sum3A_1236 = vector.shape_cast %mul3A_1235 : vector<3x160x1xf32> to vector<1x3x160x1xf32>
    %reduce_sum3A_1237 = arith.constant dense<0.000000e+00> : vector<1xf32>
    %reduce_sum3A_1238 = vector.multi_reduction <add>, %reduce_sum3A_1236, %reduce_sum3A_1237 [1, 2, 3] : vector<1x3x160x1xf32> to vector<1xf32>
    %reduce_sum3A_1239 = vector.shape_cast %reduce_sum3A_1238 : vector<1xf32> to vector<1x1x1x1xf32>
    %reduce_sum3A_1240 = vector.extract %reduce_sum3A_1239[0, 0, 0, 0] : f32 from vector<1x1x1x1xf32>
    %mul3A_1241 = arith.constant 8.000000e+01 : f32
    %mul3A_1242 = arith.mulf %max3A_1050, %mul3A_1241 : f32
    %div3A_1243 = arith.divf %reduce_sum3A_1240, %mul3A_1242 : f32
    %add3A_1244 = arith.addf %add3A_757, %div3A_1243 : f32
    %mul3A_1245 = arith.constant 6.400000e+01 : f32
    %mul3A_1246 = vector.broadcast %mul3A_1245 : f32 to vector<160x1xf32>
    %mul3A_1247 = arith.mulf %min3A_988, %mul3A_1246 : vector<160x1xf32>
    %add3A_1248 = arith.addf %mul3A_1247, %min3A_981 : vector<160x1xf32>
    %slice3A_1249 = vector.extract_strided_slice %transpose3A {offsets = [2, 0], sizes = [1, 160], strides = [1, 1]} : vector<6x160xf32> to vector<1x160xf32>
    %mul3A_1250 = arith.constant 6.400000e+01 : f32
    %mul3A_1251 = vector.broadcast %mul3A_1250 : f32 to vector<1x160xf32>
    %mul3A_1252 = arith.mulf %slice3A_1249, %mul3A_1251 : vector<1x160xf32>
    %slice3A_1253 = vector.extract_strided_slice %transpose3A {offsets = [3, 0], sizes = [1, 160], strides = [1, 1]} : vector<6x160xf32> to vector<1x160xf32>
    %mul3A_1254 = arith.constant 6.400000e+01 : f32
    %mul3A_1255 = vector.broadcast %mul3A_1254 : f32 to vector<1x160xf32>
    %mul3A_1256 = arith.mulf %slice3A_1253, %mul3A_1255 : vector<1x160xf32>
    %floor3A_1257 = math.floor %mul3A_1256 : vector<1x160xf32>
    %jit3A_1258 = arith.constant 0.000000e+00 : f32
    %jit3A_1259 = arith.constant 6.300000e+01 : f32
    %max3A_1260 = vector.broadcast %jit3A_1258 : f32 to vector<1x160xf32>
    %max3A_1261 = arith.maximumf %max3A_1260, %floor3A_1257 : vector<1x160xf32>
    %min3A_1262 = vector.broadcast %jit3A_1259 : f32 to vector<1x160xf32>
    %min3A_1263 = arith.minimumf %min3A_1262, %max3A_1261 : vector<1x160xf32>
    %mul3A_1264 = arith.constant 6.400000e+01 : f32
    %mul3A_1265 = vector.broadcast %mul3A_1264 : f32 to vector<1x160xf32>
    %mul3A_1266 = arith.mulf %min3A_1263, %mul3A_1265 : vector<1x160xf32>
    %floor3A_1267 = math.floor %mul3A_1252 : vector<1x160xf32>
    %jit3A_1268 = arith.constant 0.000000e+00 : f32
    %jit3A_1269 = arith.constant 6.300000e+01 : f32
    %max3A_1270 = vector.broadcast %jit3A_1268 : f32 to vector<1x160xf32>
    %max3A_1271 = arith.maximumf %max3A_1270, %floor3A_1267 : vector<1x160xf32>
    %min3A_1272 = vector.broadcast %jit3A_1269 : f32 to vector<1x160xf32>
    %min3A_1273 = arith.minimumf %min3A_1272, %max3A_1271 : vector<1x160xf32>
    %add3A_1274 = arith.addf %mul3A_1266, %min3A_1273 : vector<1x160xf32>
    %slice3A_1275 = vector.extract_strided_slice %transpose3A {offsets = [4, 0], sizes = [1, 160], strides = [1, 1]} : vector<6x160xf32> to vector<1x160xf32>
    %mul3A_1276 = arith.constant 6.400000e+01 : f32
    %mul3A_1277 = vector.broadcast %mul3A_1276 : f32 to vector<1x160xf32>
    %mul3A_1278 = arith.mulf %slice3A_1275, %mul3A_1277 : vector<1x160xf32>
    %slice3A_1279 = vector.extract_strided_slice %transpose3A {offsets = [5, 0], sizes = [1, 160], strides = [1, 1]} : vector<6x160xf32> to vector<1x160xf32>
    %mul3A_1280 = arith.constant 6.400000e+01 : f32
    %mul3A_1281 = vector.broadcast %mul3A_1280 : f32 to vector<1x160xf32>
    %mul3A_1282 = arith.mulf %slice3A_1279, %mul3A_1281 : vector<1x160xf32>
    %eq3A_1283 = vector.broadcast %add3A_1248 : vector<160x1xf32> to vector<160x160xf32>
    %eq3A_1284 = vector.broadcast %add3A_1274 : vector<1x160xf32> to vector<160x160xf32>
    %eq3A_1285 = arith.cmpf oeq, %eq3A_1283, %eq3A_1284 : vector<160x160xf32>
    %convert_element_type3A_1286 = arith.extui %eq3A_1285 : vector<160x160xi1> to vector<160x160xi32>
    %convert_element_type3A_1287 = arith.sitofp %convert_element_type3A_1286 : vector<160x160xi32> to vector<160x160xf32>
    %iota3A_1288 = tpu.iota {dimensions = array<i32: 0>} : vector<160x160xi32>
    %iota3A_1289 = tpu.iota {dimensions = array<i32: 1>} : vector<160x160xi32>
    %gt3A_1290 = arith.cmpi sgt, %iota3A_1289, %iota3A_1288 : vector<160x160xi32>
    %convert_element_type3A_1291 = arith.extui %gt3A_1290 : vector<160x160xi1> to vector<160x160xi32>
    %convert_element_type3A_1292 = arith.sitofp %convert_element_type3A_1291 : vector<160x160xi32> to vector<160x160xf32>
    %div3A_1293 = arith.constant 1.250000e+00 : f32
    %div3A_1294 = vector.broadcast %div3A_1293 : f32 to vector<1x160xf32>
    %div3A_1295 = arith.divf %mul3A_1278, %div3A_1294 : vector<1x160xf32>
    %div3A_1296 = arith.constant 1.625000e+00 : f32
    %div3A_1297 = vector.broadcast %div3A_1296 : f32 to vector<1x160xf32>
    %div3A_1298 = arith.divf %mul3A_1282, %div3A_1297 : vector<1x160xf32>
    %div3A_1299 = arith.constant 1.000000e+00 : f32
    %div3A_1300 = vector.broadcast %div3A_1299 : f32 to vector<1x160xf32>
    %div3A_1301 = arith.divf %div3A_1300, %div3A_1295 : vector<1x160xf32>
    %max3A_1302 = arith.maximumf %div3A_1295, %div3A_1301 : vector<1x160xf32>
    %div3A_1303 = arith.constant 1.000000e+00 : f32
    %div3A_1304 = vector.broadcast %div3A_1303 : f32 to vector<1x160xf32>
    %div3A_1305 = arith.divf %div3A_1304, %div3A_1298 : vector<1x160xf32>
    %max3A_1306 = arith.maximumf %div3A_1298, %div3A_1305 : vector<1x160xf32>
    %max3A_1307 = arith.maximumf %max3A_1302, %max3A_1306 : vector<1x160xf32>
    %lt3A_1308 = arith.constant 4.000000e+00 : f32
    %lt3A_1309 = vector.broadcast %lt3A_1308 : f32 to vector<1x160xf32>
    %lt3A_1310 = arith.cmpf olt, %max3A_1307, %lt3A_1309 : vector<1x160xf32>
    %convert_element_type3A_1311 = arith.extui %lt3A_1310 : vector<1x160xi1> to vector<1x160xi32>
    %convert_element_type3A_1312 = arith.sitofp %convert_element_type3A_1311 : vector<1x160xi32> to vector<1x160xf32>
    %mul3A_1313 = arith.mulf %convert_element_type3A_1287, %convert_element_type3A_1292 : vector<160x160xf32>
    %mul3A_1314 = vector.broadcast %convert_element_type3A_1312 : vector<1x160xf32> to vector<160x160xf32>
    %mul3A_1315 = arith.mulf %mul3A_1313, %mul3A_1314 : vector<160x160xf32>
    %reduce_max3A_1316 = arith.constant dense<0xFF800000> : vector<160xf32>
    %reduce_max3A_1317 = vector.multi_reduction <maximumf>, %mul3A_1315, %reduce_max3A_1316 [1] : vector<160x160xf32> to vector<160xf32>
    %broadcast_in_dim3A_1318 = vector.shape_cast %reduce_max3A_1317 : vector<160xf32> to vector<160x1xf32>
    %slice3A_1319 = vector.extract_strided_slice %convert_element_type3A_1043 {offsets = [0, 0, 0], sizes = [1, 160, 1], strides = [1, 1, 1]} : vector<3x160x1xf32> to vector<1x160x1xf32>
    %reshape3A_1320 = vector.shape_cast %slice3A_1319 : vector<1x160x1xf32> to vector<160x1xf32>
    %sub3A_1321 = arith.constant 1.000000e+00 : f32
    %sub3A_1322 = vector.broadcast %sub3A_1321 : f32 to vector<160x1xf32>
    %sub3A_1323 = arith.subf %sub3A_1322, %broadcast_in_dim3A_1318 : vector<160x1xf32>
    %mul3A_1324 = arith.mulf %reshape3A_1320, %sub3A_1323 : vector<160x1xf32>
    %slice3A_1325 = vector.extract_strided_slice %get3A_958 {offsets = [0, 0, 4], sizes = [1, 160, 1], strides = [1, 1, 1]} : vector<3x160x85xf32> to vector<1x160x1xf32>
    %reshape3A_1326 = vector.shape_cast %slice3A_1325 : vector<1x160x1xf32> to vector<160x1xf32>
    %slice3A_1327 = vector.extract_strided_slice %sub3A_1195 {offsets = [0, 0, 0], sizes = [1, 160, 1], strides = [1, 1, 1]} : vector<3x160x1xf32> to vector<1x160x1xf32>
    %reshape3A_1328 = vector.shape_cast %slice3A_1327 : vector<1x160x1xf32> to vector<160x1xf32>
    %max3A_1329 = arith.constant 0.000000e+00 : f32
    %max3A_1330 = vector.broadcast %max3A_1329 : f32 to vector<160x1xf32>
    %max3A_1331 = arith.maximumf %reshape3A_1328, %max3A_1330 : vector<160x1xf32>
    %mul3A_1332 = arith.mulf %mul3A_1324, %reshape3A_1326 : vector<160x1xf32>
    %mul3A_1333 = arith.mulf %mul3A_1332, %max3A_1331 : vector<160x1xf32>
    %reduce_sum3A_1334 = vector.shape_cast %mul3A_1333 : vector<160x1xf32> to vector<1x160x1xf32>
    %reduce_sum3A_1335 = arith.constant dense<0.000000e+00> : vector<1xf32>
    %reduce_sum3A_1336 = vector.multi_reduction <add>, %reduce_sum3A_1334, %reduce_sum3A_1335 [1, 2] : vector<1x160x1xf32> to vector<1xf32>
    %reduce_sum3A_1337 = vector.shape_cast %reduce_sum3A_1336 : vector<1xf32> to vector<1x1x1xf32>
    %reduce_sum3A_1338 = vector.extract %reduce_sum3A_1337[0, 0, 0] : f32 from vector<1x1x1xf32>
    %add3A_1339 = arith.constant 0.000000e+00 : f32
    %add3A_1340 = arith.addf %add3A_1339, %reduce_sum3A_1338 : f32
    %div3A_1341 = arith.constant 2.000000e+00 : f32
    %div3A_1342 = vector.broadcast %div3A_1341 : f32 to vector<1x160xf32>
    %div3A_1343 = arith.divf %mul3A_1278, %div3A_1342 : vector<1x160xf32>
    %div3A_1344 = arith.constant 3.750000e+00 : f32
    %div3A_1345 = vector.broadcast %div3A_1344 : f32 to vector<1x160xf32>
    %div3A_1346 = arith.divf %mul3A_1282, %div3A_1345 : vector<1x160xf32>
    %div3A_1347 = arith.constant 1.000000e+00 : f32
    %div3A_1348 = vector.broadcast %div3A_1347 : f32 to vector<1x160xf32>
    %div3A_1349 = arith.divf %div3A_1348, %div3A_1343 : vector<1x160xf32>
    %max3A_1350 = arith.maximumf %div3A_1343, %div3A_1349 : vector<1x160xf32>
    %div3A_1351 = arith.constant 1.000000e+00 : f32
    %div3A_1352 = vector.broadcast %div3A_1351 : f32 to vector<1x160xf32>
    %div3A_1353 = arith.divf %div3A_1352, %div3A_1346 : vector<1x160xf32>
    %max3A_1354 = arith.maximumf %div3A_1346, %div3A_1353 : vector<1x160xf32>
    %max3A_1355 = arith.maximumf %max3A_1350, %max3A_1354 : vector<1x160xf32>
    %lt3A_1356 = arith.constant 4.000000e+00 : f32
    %lt3A_1357 = vector.broadcast %lt3A_1356 : f32 to vector<1x160xf32>
    %lt3A_1358 = arith.cmpf olt, %max3A_1355, %lt3A_1357 : vector<1x160xf32>
    %convert_element_type3A_1359 = arith.extui %lt3A_1358 : vector<1x160xi1> to vector<1x160xi32>
    %convert_element_type3A_1360 = arith.sitofp %convert_element_type3A_1359 : vector<1x160xi32> to vector<1x160xf32>
    %mul3A_1361 = arith.mulf %convert_element_type3A_1287, %convert_element_type3A_1292 : vector<160x160xf32>
    %mul3A_1362 = vector.broadcast %convert_element_type3A_1360 : vector<1x160xf32> to vector<160x160xf32>
    %mul3A_1363 = arith.mulf %mul3A_1361, %mul3A_1362 : vector<160x160xf32>
    %reduce_max3A_1364 = arith.constant dense<0xFF800000> : vector<160xf32>
    %reduce_max3A_1365 = vector.multi_reduction <maximumf>, %mul3A_1363, %reduce_max3A_1364 [1] : vector<160x160xf32> to vector<160xf32>
    %broadcast_in_dim3A_1366 = vector.shape_cast %reduce_max3A_1365 : vector<160xf32> to vector<160x1xf32>
    %slice3A_1367 = vector.extract_strided_slice %convert_element_type3A_1043 {offsets = [1, 0, 0], sizes = [1, 160, 1], strides = [1, 1, 1]} : vector<3x160x1xf32> to vector<1x160x1xf32>
    %reshape3A_1368 = vector.shape_cast %slice3A_1367 : vector<1x160x1xf32> to vector<160x1xf32>
    %sub3A_1369 = arith.constant 1.000000e+00 : f32
    %sub3A_1370 = vector.broadcast %sub3A_1369 : f32 to vector<160x1xf32>
    %sub3A_1371 = arith.subf %sub3A_1370, %broadcast_in_dim3A_1366 : vector<160x1xf32>
    %mul3A_1372 = arith.mulf %reshape3A_1368, %sub3A_1371 : vector<160x1xf32>
    %slice3A_1373 = vector.extract_strided_slice %get3A_958 {offsets = [1, 0, 4], sizes = [1, 160, 1], strides = [1, 1, 1]} : vector<3x160x85xf32> to vector<1x160x1xf32>
    %reshape3A_1374 = vector.shape_cast %slice3A_1373 : vector<1x160x1xf32> to vector<160x1xf32>
    %slice3A_1375 = vector.extract_strided_slice %sub3A_1195 {offsets = [1, 0, 0], sizes = [1, 160, 1], strides = [1, 1, 1]} : vector<3x160x1xf32> to vector<1x160x1xf32>
    %reshape3A_1376 = vector.shape_cast %slice3A_1375 : vector<1x160x1xf32> to vector<160x1xf32>
    %max3A_1377 = arith.constant 0.000000e+00 : f32
    %max3A_1378 = vector.broadcast %max3A_1377 : f32 to vector<160x1xf32>
    %max3A_1379 = arith.maximumf %reshape3A_1376, %max3A_1378 : vector<160x1xf32>
    %mul3A_1380 = arith.mulf %mul3A_1372, %reshape3A_1374 : vector<160x1xf32>
    %mul3A_1381 = arith.mulf %mul3A_1380, %max3A_1379 : vector<160x1xf32>
    %reduce_sum3A_1382 = vector.shape_cast %mul3A_1381 : vector<160x1xf32> to vector<1x160x1xf32>
    %reduce_sum3A_1383 = arith.constant dense<0.000000e+00> : vector<1xf32>
    %reduce_sum3A_1384 = vector.multi_reduction <add>, %reduce_sum3A_1382, %reduce_sum3A_1383 [1, 2] : vector<1x160x1xf32> to vector<1xf32>
    %reduce_sum3A_1385 = vector.shape_cast %reduce_sum3A_1384 : vector<1xf32> to vector<1x1x1xf32>
    %reduce_sum3A_1386 = vector.extract %reduce_sum3A_1385[0, 0, 0] : f32 from vector<1x1x1xf32>
    %add3A_1387 = arith.addf %add3A_1340, %reduce_sum3A_1386 : f32
    %div3A_1388 = arith.constant 4.125000e+00 : f32
    %div3A_1389 = vector.broadcast %div3A_1388 : f32 to vector<1x160xf32>
    %div3A_1390 = arith.divf %mul3A_1278, %div3A_1389 : vector<1x160xf32>
    %div3A_1391 = arith.constant 2.875000e+00 : f32
    %div3A_1392 = vector.broadcast %div3A_1391 : f32 to vector<1x160xf32>
    %div3A_1393 = arith.divf %mul3A_1282, %div3A_1392 : vector<1x160xf32>
    %div3A_1394 = arith.constant 1.000000e+00 : f32
    %div3A_1395 = vector.broadcast %div3A_1394 : f32 to vector<1x160xf32>
    %div3A_1396 = arith.divf %div3A_1395, %div3A_1390 : vector<1x160xf32>
    %max3A_1397 = arith.maximumf %div3A_1390, %div3A_1396 : vector<1x160xf32>
    %div3A_1398 = arith.constant 1.000000e+00 : f32
    %div3A_1399 = vector.broadcast %div3A_1398 : f32 to vector<1x160xf32>
    %div3A_1400 = arith.divf %div3A_1399, %div3A_1393 : vector<1x160xf32>
    %max3A_1401 = arith.maximumf %div3A_1393, %div3A_1400 : vector<1x160xf32>
    %max3A_1402 = arith.maximumf %max3A_1397, %max3A_1401 : vector<1x160xf32>
    %lt3A_1403 = arith.constant 4.000000e+00 : f32
    %lt3A_1404 = vector.broadcast %lt3A_1403 : f32 to vector<1x160xf32>
    %lt3A_1405 = arith.cmpf olt, %max3A_1402, %lt3A_1404 : vector<1x160xf32>
    %convert_element_type3A_1406 = arith.extui %lt3A_1405 : vector<1x160xi1> to vector<1x160xi32>
    %convert_element_type3A_1407 = arith.sitofp %convert_element_type3A_1406 : vector<1x160xi32> to vector<1x160xf32>
    %mul3A_1408 = arith.mulf %convert_element_type3A_1287, %convert_element_type3A_1292 : vector<160x160xf32>
    %mul3A_1409 = vector.broadcast %convert_element_type3A_1407 : vector<1x160xf32> to vector<160x160xf32>
    %mul3A_1410 = arith.mulf %mul3A_1408, %mul3A_1409 : vector<160x160xf32>
    %reduce_max3A_1411 = arith.constant dense<0xFF800000> : vector<160xf32>
    %reduce_max3A_1412 = vector.multi_reduction <maximumf>, %mul3A_1410, %reduce_max3A_1411 [1] : vector<160x160xf32> to vector<160xf32>
    %broadcast_in_dim3A_1413 = vector.shape_cast %reduce_max3A_1412 : vector<160xf32> to vector<160x1xf32>
    %slice3A_1414 = vector.extract_strided_slice %convert_element_type3A_1043 {offsets = [2, 0, 0], sizes = [1, 160, 1], strides = [1, 1, 1]} : vector<3x160x1xf32> to vector<1x160x1xf32>
    %reshape3A_1415 = vector.shape_cast %slice3A_1414 : vector<1x160x1xf32> to vector<160x1xf32>
    %sub3A_1416 = arith.constant 1.000000e+00 : f32
    %sub3A_1417 = vector.broadcast %sub3A_1416 : f32 to vector<160x1xf32>
    %sub3A_1418 = arith.subf %sub3A_1417, %broadcast_in_dim3A_1413 : vector<160x1xf32>
    %mul3A_1419 = arith.mulf %reshape3A_1415, %sub3A_1418 : vector<160x1xf32>
    %slice3A_1420 = vector.extract_strided_slice %get3A_958 {offsets = [2, 0, 4], sizes = [1, 160, 1], strides = [1, 1, 1]} : vector<3x160x85xf32> to vector<1x160x1xf32>
    %reshape3A_1421 = vector.shape_cast %slice3A_1420 : vector<1x160x1xf32> to vector<160x1xf32>
    %slice3A_1422 = vector.extract_strided_slice %sub3A_1195 {offsets = [2, 0, 0], sizes = [1, 160, 1], strides = [1, 1, 1]} : vector<3x160x1xf32> to vector<1x160x1xf32>
    %reshape3A_1423 = vector.shape_cast %slice3A_1422 : vector<1x160x1xf32> to vector<160x1xf32>
    %max3A_1424 = arith.constant 0.000000e+00 : f32
    %max3A_1425 = vector.broadcast %max3A_1424 : f32 to vector<160x1xf32>
    %max3A_1426 = arith.maximumf %reshape3A_1423, %max3A_1425 : vector<160x1xf32>
    %mul3A_1427 = arith.mulf %mul3A_1419, %reshape3A_1421 : vector<160x1xf32>
    %mul3A_1428 = arith.mulf %mul3A_1427, %max3A_1426 : vector<160x1xf32>
    %reduce_sum3A_1429 = vector.shape_cast %mul3A_1428 : vector<160x1xf32> to vector<1x160x1xf32>
    %reduce_sum3A_1430 = arith.constant dense<0.000000e+00> : vector<1xf32>
    %reduce_sum3A_1431 = vector.multi_reduction <add>, %reduce_sum3A_1429, %reduce_sum3A_1430 [1, 2] : vector<1x160x1xf32> to vector<1xf32>
    %reduce_sum3A_1432 = vector.shape_cast %reduce_sum3A_1431 : vector<1xf32> to vector<1x1x1xf32>
    %reduce_sum3A_1433 = vector.extract %reduce_sum3A_1432[0, 0, 0] : f32 from vector<1x1x1xf32>
    %add3A_1434 = arith.addf %add3A_1387, %reduce_sum3A_1433 : f32
    %swap3A_1435 = arith.constant 4 : index
    %swap3A_1436 = memref.load %arg10[%swap3A_1435] : memref<8xf32, #tpu.memory_space<smem>>
    memref.store %add3A_1434, %arg10[%swap3A_1435] : memref<8xf32, #tpu.memory_space<smem>>
    %swap3A_1437 = arith.constant 0 : index
    %swap3A_1438 = memref.load %arg10[%swap3A_1437] : memref<8xf32, #tpu.memory_space<smem>>
    memref.store %add3A_1206, %arg10[%swap3A_1437] : memref<8xf32, #tpu.memory_space<smem>>
    %swap3A_1439 = arith.constant 1 : index
    %swap3A_1440 = memref.load %arg10[%swap3A_1439] : memref<8xf32, #tpu.memory_space<smem>>
    memref.store %add3A_1244, %arg10[%swap3A_1439] : memref<8xf32, #tpu.memory_space<smem>>
    %get3A_1441 = arith.constant 0 : index
    %get3A_1442 = arith.constant 0 : index
    %get3A_1443 = vector.load %arg6[%get3A_1441, %get3A_1442] : memref<2016x128xf32, #tpu.memory_space<vmem>>, vector<2016x128xf32>
    %slice3A_1444 = vector.extract_strided_slice %get3A_1443 {offsets = [0, 0], sizes = [96, 128], strides = [1, 1]} : vector<2016x128xf32> to vector<96x128xf32>
    %max3A_1445 = arith.constant 0.000000e+00 : f32
    %max3A_1446 = vector.broadcast %max3A_1445 : f32 to vector<96x128xf32>
    %max3A_1447 = arith.maximumf %slice3A_1444, %max3A_1446 : vector<96x128xf32>
    %abs3A_1448 = math.absf %slice3A_1444 : vector<96x128xf32>
    %neg3A_1449 = arith.constant 0.000000e+00 : f32
    %neg3A_1450 = vector.broadcast %neg3A_1449 : f32 to vector<96x128xf32>
    %neg3A_1451 = arith.subf %neg3A_1450, %abs3A_1448 : vector<96x128xf32>
    %exp3A_1452 = math.exp %neg3A_1451 : vector<96x128xf32>
    %log1p3A_1453 = math.log1p %exp3A_1452 : vector<96x128xf32>
    %add3A_1454 = arith.addf %max3A_1447, %log1p3A_1453 : vector<96x128xf32>
    %reduce_sum3A_1455 = vector.shape_cast %add3A_1454 : vector<96x128xf32> to vector<1x96x128xf32>
    %reduce_sum3A_1456 = arith.constant dense<0.000000e+00> : vector<1xf32>
    %reduce_sum3A_1457 = vector.multi_reduction <add>, %reduce_sum3A_1455, %reduce_sum3A_1456 [1, 2] : vector<1x96x128xf32> to vector<1xf32>
    %reduce_sum3A_1458 = vector.shape_cast %reduce_sum3A_1457 : vector<1xf32> to vector<1x1x1xf32>
    %reduce_sum3A_1459 = vector.extract %reduce_sum3A_1458[0, 0, 0] : f32 from vector<1x1x1xf32>
    %slice3A_1460 = vector.extract_strided_slice %get3A_1443 {offsets = [96, 0], sizes = [384, 128], strides = [1, 1]} : vector<2016x128xf32> to vector<384x128xf32>
    %max3A_1461 = arith.constant 0.000000e+00 : f32
    %max3A_1462 = vector.broadcast %max3A_1461 : f32 to vector<384x128xf32>
    %max3A_1463 = arith.maximumf %slice3A_1460, %max3A_1462 : vector<384x128xf32>
    %abs3A_1464 = math.absf %slice3A_1460 : vector<384x128xf32>
    %neg3A_1465 = arith.constant 0.000000e+00 : f32
    %neg3A_1466 = vector.broadcast %neg3A_1465 : f32 to vector<384x128xf32>
    %neg3A_1467 = arith.subf %neg3A_1466, %abs3A_1464 : vector<384x128xf32>
    %exp3A_1468 = math.exp %neg3A_1467 : vector<384x128xf32>
    %log1p3A_1469 = math.log1p %exp3A_1468 : vector<384x128xf32>
    %add3A_1470 = arith.addf %max3A_1463, %log1p3A_1469 : vector<384x128xf32>
    %reduce_sum3A_1471 = vector.shape_cast %add3A_1470 : vector<384x128xf32> to vector<1x384x128xf32>
    %reduce_sum3A_1472 = arith.constant dense<0.000000e+00> : vector<1xf32>
    %reduce_sum3A_1473 = vector.multi_reduction <add>, %reduce_sum3A_1471, %reduce_sum3A_1472 [1, 2] : vector<1x384x128xf32> to vector<1xf32>
    %reduce_sum3A_1474 = vector.shape_cast %reduce_sum3A_1473 : vector<1xf32> to vector<1x1x1xf32>
    %reduce_sum3A_1475 = vector.extract %reduce_sum3A_1474[0, 0, 0] : f32 from vector<1x1x1xf32>
    %slice3A_1476 = vector.extract_strided_slice %get3A_1443 {offsets = [480, 0], sizes = [1536, 128], strides = [1, 1]} : vector<2016x128xf32> to vector<1536x128xf32>
    %max3A_1477 = arith.constant 0.000000e+00 : f32
    %max3A_1478 = vector.broadcast %max3A_1477 : f32 to vector<1536x128xf32>
    %max3A_1479 = arith.maximumf %slice3A_1476, %max3A_1478 : vector<1536x128xf32>
    %abs3A_1480 = math.absf %slice3A_1476 : vector<1536x128xf32>
    %neg3A_1481 = arith.constant 0.000000e+00 : f32
    %neg3A_1482 = vector.broadcast %neg3A_1481 : f32 to vector<1536x128xf32>
    %neg3A_1483 = arith.subf %neg3A_1482, %abs3A_1480 : vector<1536x128xf32>
    %exp3A_1484 = math.exp %neg3A_1483 : vector<1536x128xf32>
    %log1p3A_1485 = math.log1p %exp3A_1484 : vector<1536x128xf32>
    %add3A_1486 = arith.addf %max3A_1479, %log1p3A_1485 : vector<1536x128xf32>
    %reduce_sum3A_1487 = vector.shape_cast %add3A_1486 : vector<1536x128xf32> to vector<1x1536x128xf32>
    %reduce_sum3A_1488 = arith.constant dense<0.000000e+00> : vector<1xf32>
    %reduce_sum3A_1489 = vector.multi_reduction <add>, %reduce_sum3A_1487, %reduce_sum3A_1488 [1, 2] : vector<1x1536x128xf32> to vector<1xf32>
    %reduce_sum3A_1490 = vector.shape_cast %reduce_sum3A_1489 : vector<1xf32> to vector<1x1x1xf32>
    %reduce_sum3A_1491 = vector.extract %reduce_sum3A_1490[0, 0, 0] : f32 from vector<1x1x1xf32>
    %get3A_1492 = arith.constant 2 : index
    %get3A_1493 = memref.load %arg10[%get3A_1492] : memref<8xf32, #tpu.memory_space<smem>>
    %sub3A_1494 = arith.subf %reduce_sum3A_1459, %get3A_1493 : f32
    %div3A_1495 = arith.constant 1.228800e+04 : f32
    %div3A_1496 = arith.divf %sub3A_1494, %div3A_1495 : f32
    %add3A_1497 = arith.constant 0.000000e+00 : f32
    %add3A_1498 = arith.addf %add3A_1497, %div3A_1496 : f32
    %get3A_1499 = arith.constant 3 : index
    %get3A_1500 = memref.load %arg10[%get3A_1499] : memref<8xf32, #tpu.memory_space<smem>>
    %sub3A_1501 = arith.subf %reduce_sum3A_1475, %get3A_1500 : f32
    %div3A_1502 = arith.constant 4.915200e+04 : f32
    %div3A_1503 = arith.divf %sub3A_1501, %div3A_1502 : f32
    %add3A_1504 = arith.addf %add3A_1498, %div3A_1503 : f32
    %get3A_1505 = arith.constant 4 : index
    %get3A_1506 = memref.load %arg10[%get3A_1505] : memref<8xf32, #tpu.memory_space<smem>>
    %sub3A_1507 = arith.subf %reduce_sum3A_1491, %get3A_1506 : f32
    %div3A_1508 = arith.constant 1.966080e+05 : f32
    %div3A_1509 = arith.divf %sub3A_1507, %div3A_1508 : f32
    %add3A_1510 = arith.addf %add3A_1504, %div3A_1509 : f32
    %get3A_1511 = arith.constant 0 : index
    %get3A_1512 = memref.load %arg10[%get3A_1511] : memref<8xf32, #tpu.memory_space<smem>>
    %mul3A_1513 = arith.constant 5.000000e-02 : f32
    %mul3A_1514 = arith.mulf %get3A_1512, %mul3A_1513 : f32
    %get3A_1515 = arith.constant 1 : index
    %get3A_1516 = memref.load %arg10[%get3A_1515] : memref<8xf32, #tpu.memory_space<smem>>
    %mul3A_1517 = arith.constant 5.000000e-01 : f32
    %mul3A_1518 = arith.mulf %get3A_1516, %mul3A_1517 : f32
    %add3A_1519 = arith.addf %mul3A_1514, %add3A_1510 : f32
    %add3A_1520 = arith.addf %add3A_1519, %mul3A_1518 : f32
    %swap3A_1521 = arith.constant 0 : index
    %swap3A_1522 = memref.load %arg7[%swap3A_1521] : memref<1xf32, #tpu.memory_space<smem>>
    memref.store %add3A_1520, %arg7[%swap3A_1521] : memref<1xf32, #tpu.memory_space<smem>>
    %swap3A_1523 = arith.constant 0 : index
    %swap3A_1524 = memref.load %arg8[%swap3A_1523] : memref<4xf32, #tpu.memory_space<smem>>
    memref.store %mul3A_1514, %arg8[%swap3A_1523] : memref<4xf32, #tpu.memory_space<smem>>
    %swap3A_1525 = arith.constant 1 : index
    %swap3A_1526 = memref.load %arg8[%swap3A_1525] : memref<4xf32, #tpu.memory_space<smem>>
    memref.store %add3A_1510, %arg8[%swap3A_1525] : memref<4xf32, #tpu.memory_space<smem>>
    %swap3A_1527 = arith.constant 2 : index
    %swap3A_1528 = memref.load %arg8[%swap3A_1527] : memref<4xf32, #tpu.memory_space<smem>>
    memref.store %mul3A_1518, %arg8[%swap3A_1527] : memref<4xf32, #tpu.memory_space<smem>>
    %swap3A_1529 = arith.constant 3 : index
    %swap3A_1530 = memref.load %arg8[%swap3A_1529] : memref<4xf32, #tpu.memory_space<smem>>
    memref.store %add3A_1520, %arg8[%swap3A_1529] : memref<4xf32, #tpu.memory_space<smem>>
    return
  }
  func.func @transform_0(%arg0: i32) -> (i32, i32) {
    %c0_i32 = arith.constant 0 : i32
    %c0_i32_0 = arith.constant 0 : i32
    %c0_i32_1 = arith.constant 0 : i32
    return %c0_i32, %c0_i32_0 : i32, i32
  }
  func.func @transform_1(%arg0: i32) -> (i32, i32) {
    %c0_i32 = arith.constant 0 : i32
    %c0_i32_0 = arith.constant 0 : i32
    %c0_i32_1 = arith.constant 0 : i32
    return %c0_i32, %c0_i32_0 : i32, i32
  }
  func.func @transform_2(%arg0: i32) -> (i32, i32) {
    %c0_i32 = arith.constant 0 : i32
    %c0_i32_0 = arith.constant 0 : i32
    %c0_i32_1 = arith.constant 0 : i32
    return %c0_i32, %c0_i32_0 : i32, i32
  }
  func.func @transform_3(%arg0: i32) -> (i32, i32) {
    %c0_i32 = arith.constant 0 : i32
    %c0_i32_0 = arith.constant 0 : i32
    %c0_i32_1 = arith.constant 0 : i32
    return %c0_i32, %c0_i32_0 : i32, i32
  }
  func.func @transform_4(%arg0: i32) -> (i32, i32) {
    %c0_i32 = arith.constant 0 : i32
    %c0_i32_0 = arith.constant 0 : i32
    %c0_i32_1 = arith.constant 0 : i32
    return %c0_i32, %c0_i32_0 : i32, i32
  }
  func.func @transform_5(%arg0: i32) -> (i32, i32) {
    %c0_i32 = arith.constant 0 : i32
    %c0_i32_0 = arith.constant 0 : i32
    %c0_i32_1 = arith.constant 0 : i32
    return %c0_i32, %c0_i32_0 : i32, i32
  }
  func.func @transform_6(%arg0: i32) -> i32 {
    %c0_i32 = arith.constant 0 : i32
    %c0_i32_0 = arith.constant 0 : i32
    return %c0_i32 : i32
  }
  func.func @transform_7(%arg0: i32) -> i32 {
    %c0_i32 = arith.constant 0 : i32
    %c0_i32_0 = arith.constant 0 : i32
    return %c0_i32 : i32
  }
}

</mosaic_0001>

<sc_bundles>
// kernel: kernel.4.cloned.1.call-start
scs
__scs_entry_jumppad:
0x0: {  	(pc) =	sbr.rel $0x88, $3  }
0x1: {  	(tag) =	ssettag $0x0;
	lr =	simm.s32 $0x1  }
0x2: {  	[smem:$0x3F9D] =	sst lr;
	_ =	strace $0xD0000000  }
0x3: {  	_ = 	snop  }
0x4: {  	_ = 	snop  }
0x5: {  	_ = 	snop  }
0x6: {  	_ = 	snop  }
0x7: {  	_ = 	snop  }
__scs_overlays_trampoline_lowered:
0x8: {  	[smem:$0x3FAC] =	sst s0  }
0x9: {  	[smem:$0x3FAD] =	sst s1  }
0xa: {  	[smem:$0x3FAE] =	sst s2  }
0xb: {  	[smem:$0x3FAF] =	sst s3  }
0xc: {  	[smem:$0x3FB0] =	sst s4  }
0xd: {  	[smem:$0x3FB1] =	sst s5  }
0xe: {  	[smem:$0x3FB2] =	sst s6  }
0xf: {  	[smem:$0x3FB3] =	sst s7  }
0x10: {  	[smem:$0x3FB4] =	sst s8  }
0x11: {  	[smem:$0x3FB5] =	sst s9;
	s0 =	simm.s32 @!p0 $0x0  }
0x12: {  	s1 =	sld [smem:$0x3F9B];
	s0 =	simm.s32 @p0 $0x1  }
0x13: {  	[smem:$0x3FB6] =	sst s0;
	s0 =	simm.s32 @!p1 $0x0  }
0x14: {  	s2 =	sld [smem:$0x3F9A];
	s0 =	simm.s32 @p1 $0x1  }
0x15: {  	[smem:$0x3FB7] =	sst s0;
	s0 =	simm.s32 @!p2 $0x0  }
0x16: {  	s3 =	sld [smem:$0x3FDB];
	s0 =	simm.s32 @p2 $0x1  }
0x17: {  	s4 =	simm.s32 $0x1BF5;
	[smem:$0x3FB9] =	sst s0  }
0x18: {  	s0 =	sld [smem:$0x3F9C];
	_ =	swait.ge [sflag:s4], $0x0  }
0x19: {  	s7 =	sld [smem:$0x3F9D]  }
0x1a: {  	s8 =	sadd.s32 $0xFFFFE003, lr  }
0x1b: {  	s9 =	sadd.s32 $0xFFFFFEF7, lr;
	s5 =	simm.s32 $0xFFFFFFFF;
	p2 =	slt.u32 s8, $0xFFFFF086  }
0x1c: {  	p1 =	slt.u32 s9, $0xF7A;
	s5 =	simm.s32 @!p2 $0x0  }
0x1d: {  	s5 =	simm.s32 @p1 $0x1;
	p0 =	seq.s32 s7, s2  }
0x1e: {  	s7 =	smul.u32 @!p0 $0xF7A, s2;
	p2 =	seq.s32 @!p0 s5, $0x0  }
0x1f: {  	s9 =	smul.u32 $0xF7A, s1;
	s8 =	simm.s32 @!p0 $0x1BF5;
	p2 =	por !p2, p0  }
0x20: {  	[sflag:s8] =	ssyncset.s32 @!p0 $0xFFFFF086;
	s6 =	sadd.s32 @!p0 s3, s7;
	s7 =	simm.s32 @!p0 $0x108  }
0x21: {  	s3 =	sadd.s32 s3, s9;
	s6 =	sadd.s32 @!p0 $0x88, s6;
	s7 =	simm.s32 @p2 $0x1082  }
0x22: {  	[simem:s7], [sflag:s8] =	dma.local @!p0 [hbm:s6], $0xF7A  }
0x23: {  	s9 =	sor.u32 $0xD0000000, s2;
	s6 =	simm.s32 $0x108;
	_ =	swait.ge @!p0 [sflag:s8], $0x0  }
0x24: {  	s3 =	sadd.s32 $0x88, s3;
	s6 =	simm.s32 @!p1 $0x1082;
	[sflag:s4] =	ssyncset.s32 $0xFFFFF086  }
0x25: {  	[simem:s6], [sflag:s4] =	dma.local [hbm:s3], $0xF7A  }
0x26: {  	[smem:$0x3F9D] =	sst s1;
	(tag) =	ssettag s2;
	_ =	strace s9  }
0x27: {  	s1 =	sld [smem:$0x3FAD]  }
0x28: {  	s2 =	sld [smem:$0x3FAE]  }
0x29: {  	s4 =	sld [smem:$0x3FB0]  }
0x2a: {  	p0 =	seq.s32 s5, $0x0;
	s5 =	sld [smem:$0x3FB1]  }
0x2b: {  	s6 =	sld [smem:$0x3FB2]  }
0x2c: {  	s7 =	sld [smem:$0x3FB3]  }
0x2d: {  	s3 =	simm.s32 $0x108;
	s8 =	sld [smem:$0x3FB4]  }
0x2e: {  	s3 =	simm.s32 @!p0 $0x1082;
	s9 =	sld [smem:$0x3FB5]  }
0x2f: {  	lr =	sadd.s32 s0, s3;
	s0 =	sld [smem:$0x3FAC]  }
0x30: {  	s3 =	sld [smem:$0x3FAF]  }
0x31: {  	[smem:$0x3FB8] =	sst s10  }
0x32: {  	s10 =	sld [smem:$0x3FB6];
	_ =	sdelay $0x3  }
0x33: {  	p0 =	seq.s32 s10, $0x1;
	s10 =	sld [smem:$0x3FB8];
	_ =	sdelay $0x3  }
0x34: {  	[smem:$0x3FB8] =	sst s10  }
0x35: {  	s10 =	sld [smem:$0x3FB7];
	_ =	sdelay $0x3  }
0x36: {  	p1 =	seq.s32 s10, $0x1;
	s10 =	sld [smem:$0x3FB8];
	_ =	sdelay $0x3  }
0x37: {  	[smem:$0x3FB8] =	sst s10  }
0x38: {  	s10 =	sld [smem:$0x3FB9]  }
0x39: {  	_ = 	snop;
	(pc) =	sbr.ind lr, $3  }
0x3a: {  	_ = 	snop  }
0x3b: {  	_ = 	snop  }
0x3c: {  	p2 =	seq.s32 s10, $0x1;
	s10 =	sld [smem:$0x3FB8]  }
0x3d: {  	_ =	shalt  }
0x3e: {  	_ =	shalt  }
0x3f: {  	_ =	shalt  }
0x40: {  	_ =	shalt  }
0x41: {  	_ =	shalt  }
0x42: {  	_ =	shalt  }
0x43: {  	_ =	shalt  }
0x44: {  	_ =	shalt  }
0x45: {  	_ =	shalt  }
0x46: {  	_ =	shalt  }
0x47: {  	_ =	shalt  }
0x48: {  	_ =	shalt  }
0x49: {  	_ =	shalt  }
0x4a: {  	_ =	shalt  }
0x4b: {  	_ =	shalt  }
0x4c: {  	_ =	shalt  }
0x4d: {  	_ =	shalt  }
0x4e: {  	_ =	shalt  }
0x4f: {  	_ =	shalt  }
0x50: {  	_ =	shalt  }
0x51: {  	_ =	shalt  }
0x52: {  	_ =	shalt  }
0x53: {  	_ =	shalt  }
0x54: {  	_ =	shalt  }
0x55: {  	_ =	shalt  }
0x56: {  	_ =	shalt  }
0x57: {  	_ =	shalt  }
0x58: {  	_ =	shalt  }
0x59: {  	_ =	shalt  }
0x5a: {  	_ =	shalt  }
0x5b: {  	_ =	shalt  }
0x5c: {  	_ =	shalt  }
0x5d: {  	_ =	shalt  }
0x5e: {  	_ =	shalt  }
0x5f: {  	_ =	shalt  }
0x60: {  	_ =	shalt  }
0x61: {  	_ =	shalt  }
0x62: {  	_ =	shalt  }
0x63: {  	_ =	shalt  }
0x64: {  	_ =	shalt  }
0x65: {  	_ =	shalt  }
0x66: {  	_ =	shalt  }
0x67: {  	_ =	shalt  }
0x68: {  	_ =	shalt  }
0x69: {  	_ =	shalt  }
0x6a: {  	_ =	shalt  }
0x6b: {  	_ =	shalt  }
0x6c: {  	_ =	shalt  }
0x6d: {  	_ =	shalt  }
0x6e: {  	_ =	shalt  }
0x6f: {  	_ =	shalt  }
0x70: {  	_ =	shalt  }
0x71: {  	_ =	shalt  }
0x72: {  	_ =	shalt  }
0x73: {  	_ =	shalt  }
0x74: {  	_ =	shalt  }
0x75: {  	_ =	shalt  }
0x76: {  	_ =	shalt  }
0x77: {  	_ =	shalt  }
0x78: {  	_ =	shalt  }
0x79: {  	_ =	shalt  }
0x7a: {  	_ =	shalt  }
0x7b: {  	_ =	shalt  }
0x7c: {  	_ =	shalt  }
0x7d: {  	_ =	shalt  }
0x7e: {  	_ =	shalt  }
0x7f: {  	_ =	shalt  }
0x80: {  	_ =	shalt  }
0x81: {  	_ =	shalt  }
0x82: {  	_ =	shalt  }
0x83: {  	_ =	shalt  }
0x84: {  	_ =	shalt  }
0x85: {  	_ =	shalt  }
0x86: {  	_ =	shalt  }
0x87: {  	_ =	shalt  }
.Lfunc_end0:
.L_simem_size_0:
called_computation_lowered:
.L_overlay_start_0:
0x88: {  	s2 =	sld [smem:$0x3FD9]  }
0x89: {  	s3 =	sld [smem:$0x3FFE];
	_ =	sdelay $0x1  }
0x8a: {  	s1 =	srdreg.scid  }
0x8b: {  	s0 =	sand.u32 $0x1, s1  }
0x8c: {  	s16 =	sshll.u32 s0, $0xA;
	s2 =	sadd.s32 s3, s2  }
0x8d: {  	s2 =	sadd.s32 s2, s16  }
0x8e: {  	[smem:$0x3FC4] =	sst s2  }
0x8f: {  	_ = 	snop  }
0x90: {  	(tm) =	ssettm $0x1  }
0x91: {  	s17 =	sld [smem:$0x3FFB];
	_ =	sdelay $0x3  }
0x92: {  	_ =	strace s17  }
0x93: {  	s2 =	sld [smem:$0x3FFC];
	_ =	sdelay $0x3  }
0x94: {  	_ =	strace s2  }
0x95: {  	s2 =	sld [smem:$0x3FFD];
	_ =	sdelay $0x3  }
0x96: {  	_ =	strace s2  }
0x97: {  	_ =	strace $0x8FFFFFFF  }
0x98: {  	s18 =	sld [smem:$0x3FDB];
	_ =	sdelay $0x1  }
0x99: {  	s19 =	simm.s32 $_scs_section_size  }
0x9a: {  	s4 =	simm.s32 $_size__tile_overlayer_lowered;
	s5 =	simm.s32 $_tile_overlayer_lowered  }
0x9b: {  	s22 =	simm.s32 $0x1BFF;
	s21 =	sshll.u32 s5, $0x1;
	s2 =	sadd.s32 s19, s18  }
0x9c: {  	s6 =	simm.s32 $0x0;
	s20 =	sshll.u32 s4, $0x1;
	s4 =	sadd.s32 s21, s2  }
0x9d: {  	[timem:s6], [sflag:s22] =	dma.local [hbm:s4], s20  }
0x9e: {  	_ =	swait.ge [sflag:s22], s20  }
0x9f: {  	s3 =	ssub.s32 $0x0, s20;
	[sflag:s22] =	ssyncset.done $0x0  }
0xa0: {  	[sflag:s22] =	ssyncadd.s32 s3;
	_ =	sdelay $0x1  }
0xa1: {  	s23 =	simm.s32 $0x1B8B  }
0xa2: {  	_ =	swait.ge [sflag:s23], $0x1  }
0xa3: {  	[sflag:s23] =	ssyncset.done $0x0  }
0xa4: {  	s25 =	simm.s32 $0x1B8E;
	s24 =	sld [smem:$0x3FFE];
	[sflag:s23] =	ssyncadd.s32 $0xFFFFFFFF  }
0xa5: {  	s26 =	simm.s32 $execute0_lowered;
	[smem:$0x3FD2] =	sst s25  }
0xa6: {  	s4 =	sshll.u32 s26, $0x1;
	_ =	strace $0x80000046;
	[dreg:$0x1] =	wrdreg $0xFFFFFFFF  }
0xa7: {  	s28 =	simm.s32 $_size_execute0_lowered;
	s2 =	sadd.s32 s2, s4;
	[dreg:$0x0] =	wrdreg $0x0  }
0xa8: {  	s4 =	sshll.u32 s28, $0x1;
	[dreg:$0x2] =	wrdreg s2  }
0xa9: {  	[dreg:$0x3] =	wrdreg s4  }
0xaa: {  	[dreg:$0x4] =	wrdreg $0xC0  }
0xab: {  	_ =	task [dreg:s6], $0x5FFFF  }
0xac: {  	[dreg:$0x1] =	wrdreg $0xFFFFFFFF  }
0xad: {  	[dreg:$0x0] =	wrdreg $0x60  }
0xae: {  	[dreg:$0x2] =	wrdreg s24  }
0xaf: {  	[dreg:$0x3] =	wrdreg $0x9  }
0xb0: {  	_ =	task.clear_ibuf [dreg:s6], $0x4FFFF;
	_ =	strace $0x90000046  }
0xb1: {  	s29 =	simm.s32 $0x9;
	_ =	strace $0x80000048  }
0xb2: {  	_ =	swait.ge [sflag:s29], $0x1  }
0xb3: {  	[sflag:s29] =	ssyncadd.s32 $0xFFFFFFFF  }
0xb4: {  	_ =	strace $0x90000048  }
0xb5: {  	_ =	sfence  }
0xb6: {  	s30 =	sld [smem:$0x0];
	_ =	sdelay $0x2  }
0xb7: {  	s31 =	sshll.u32 s1, $0xD;
	s1 =	sshrl.u32 s1, $0x2  }
0xb8: {  	s3 =	sand.u32 $0x4000, s31;
	s1 =	sadd.s32 s1, s30  }
0xb9: {  	s0 =	sor.u32 s3, s0;
	s1 =	sshll.u32 s1, $0x11  }
0xba: {  	s0 =	sor.u32 s1, s0  }
0xbb: {  	s0 =	sadd.s32 $0x8F2B, s0  }
0xbc: {  	[sflag:s0] =	ssyncadd.remote.s32 $0x1  }
0xbd: {  	_ =	sfence.sel $0xFFFF  }
0xbe: {  	[dreg:$0x0] =	wrdreg $0xFFFFFFFF;
	(pc) =	sbr.abs _section_cstart, $3  }
0xbf: {  	[dreg:$0x1] =	wrdreg $0xFFFFFFFF  }
0xc0: {  	_ =	task.clear_ibuf [dreg:s6], $0x2FFFF;
	_ =	strace $0x9FFFFFFF  }
0xc1: {  	(tm) =	ssettm $0x7FFFFFFF  }
tec
execute0_lowered:
.L_overlay_start_1:
0x0: {  	(tag) =	ssettag $0x1  }
0x1: {  	s1 =	srdreg.scid;
	s0 =	stileid.u32  }
0x2: {  	s14 =	sand.u32 $0x1, s1;
	s26 =	sshll.u32 s0, $0x1  }
0x3: {  	s5 =	sor.u32 s14, s26  }
0x4: {  	s13 =	rddreg [dreg:$0x0];
	s2 =	simm.s32 $0x0;
	s15 =	smul.u32 $0x30, s5  }
0x5: {  	[smem:$0x7FF] =	sst s2  }
0x6: {  	s1 =	rddreg [dreg:$0x1];
	_ =	strace $0x80000047;
	s3 =	sadd.s32 s15, s13  }
0x7: {  	s6 =	smul.u32 $0x600, s5;
	s4 =	sadd.s32 $0x8400, s3;
	s3 =	simm.s32 $0x2  }
0x8: {  	[tilespmem:s2], [sflag:$0x2] =	stream.linear.gather [hbm4b:s4+s2], $0x180, $0x38;
	[tilespmem:$0x3F00] =	vst v63  }
0x9: {  	s16 =	sshrl.u32 s6, $0x3;
	_ =	swait.ge [sflag:s3], $0x180  }
0xa: {  	s7 =	smul.u32 $0x1800, s5;
	s6 =	sadd.s32 s16, s13;
	[sflag:s3] =	ssyncset.done $0x0  }
0xb: {  	s5 =	sadd.s32 $0x6C00, s6;
	s6 =	simm.s32 $0x180;
	[sflag:s3] =	ssyncadd.s32 $0xFFFFFE80  }
0xc: {  	[tilespmem:s6], [sflag:$0x2] =	stream.linear.gather [hbm4b:s5+s2], $0x600, $0x38;
	[tilespmem:$0x3F00] =	vst v63  }
0xd: {  	s17 =	sshrl.u32 s7, $0x3;
	_ =	swait.ge [sflag:s3], $0x600  }
0xe: {  	s7 =	sadd.s32 s17, s13;
	[sflag:s3] =	ssyncset.done $0x0  }
0xf: {  	s8 =	simm.s32 $0x780;
	s7 =	sadd.s32 $0xC00, s7;
	[sflag:s3] =	ssyncadd.s32 $0xFFFFFA00  }
0x10: {  	[tilespmem:s8], [sflag:$0x2] =	stream.linear.gather [hbm4b:s7+s2], $0x1800, $0x38;
	[tilespmem:$0x3F00] =	vst v63  }
0x11: {  	_ =	swait.ge [sflag:s3], $0x1800  }
0x12: {  	s10 =	simm.s32 $0x80;
	s11 =	simm.s32 $0x1F80;
	[sflag:s3] =	ssyncset.done $0x0  }
0x13: {  	s12 =	simm.s32 $0x1;
	s9 =	sadd.s32 $0x286200, s13;
	[sflag:s3] =	ssyncadd.s32 $0xFFFFE800  }
0x14: {  	[tilespmem:s11], [sflag:$0x1] =	stream.indirect.gather [hbm4b:s9+s10], $0x1, s2, s10, $0xb8;
	[tilespmem:$0x3F00] =	vst v63  }
0x15: {  	_ =	swait.ge [sflag:s12], $0x80  }
0x16: {  	s18 =	sadd.s32 $0x2A6000, s13;
	s19 =	ssub.s32 $0x2, s14;
	[sflag:s12] =	ssyncset.done $0x0  }
0x17: {  	s30 =	sshrl.u32 s19, $0x1;
	s13 =	sadd.s32 s18, s15;
	[sflag:s12] =	ssyncadd.s32 $0xFFFFFF80  }
0x18: {  	[hbm4b:s13+s2] =	stream.linear.scatter [tilespmem:s11], [sflag:$0x2], $0x180, $0x38;
	[tilespmem:$0x3F00] =	vst v63  }
0x19: {  	s28 =	sadd.s32 s18, s16;
	s15 =	simm.s32 $0x2100;
	_ =	swait.ge [sflag:s3], $0x180  }
0x1a: {  	s29 =	sadd.s32 s18, s17;
	s17 =	ssub.s32 s19, s30;
	[sflag:s3] =	ssyncset.done $0x0  }
0x1b: {  	s14 =	sadd.s32 $0x600, s28;
	s31 =	smax.u32 s17, $0x1;
	[sflag:s3] =	ssyncadd.s32 $0xFFFFFE80  }
0x1c: {  	[hbm4b:s14+s2] =	stream.linear.scatter [tilespmem:s15], [sflag:$0x2], $0x600, $0x38;
	[tilespmem:$0x3F00] =	vst v63  }
0x1d: {  	p0 =	sne.s32 s31, $0x1;
	_ =	swait.ge [sflag:s3], $0x600  }
.Ltmp0:
0x1e: {  	[sflag:s3] =	ssyncset.done $0x0;
	(pc) =	sbr.rel @!p0 .LBB2_2-.Ltmp0, $4  }
0x1f: {  	s16 =	sadd.s32 $0x1E00, s29;
	s17 =	simm.s32 $0x2700;
	[sflag:s3] =	ssyncadd.s32 $0xFFFFFA00  }
0x20: {  	[hbm4b:s16+s2] =	stream.linear.scatter [tilespmem:s17], [sflag:$0x2], $0x1800, $0x38;
	[tilespmem:$0x3F00] =	vst v63  }
0x21: {  	_ =	swait.ge [sflag:s3], $0x1800  }
0x22: {  	s18 =	sadd.s32 $0xFFFFFFFF, s31;
	[sflag:s3] =	ssyncset.done $0x0  }
.LBB2_1:
0x23: {  	p0 =	sne.s32 s18, $0x1;
	s18 =	sadd.s32 $0xFFFFFFFF, s18;
	[sflag:s3] =	ssyncadd.s32 $0xFFFFE800  }
0x24: {  	[tilespmem:s2], [sflag:$0x2] =	stream.linear.gather [hbm4b:s4+s2], $0x180, $0x38;
	[tilespmem:$0x3F00] =	vst v63  }
0x25: {  	_ =	swait.ge [sflag:s3], $0x180  }
0x26: {  	[sflag:s3] =	ssyncset.done $0x0  }
0x27: {  	[sflag:s3] =	ssyncadd.s32 $0xFFFFFE80  }
0x28: {  	[tilespmem:s6], [sflag:$0x2] =	stream.linear.gather [hbm4b:s5+s2], $0x600, $0x38;
	[tilespmem:$0x3F00] =	vst v63  }
0x29: {  	_ =	swait.ge [sflag:s3], $0x600  }
0x2a: {  	[sflag:s3] =	ssyncset.done $0x0  }
0x2b: {  	[sflag:s3] =	ssyncadd.s32 $0xFFFFFA00  }
0x2c: {  	[tilespmem:s8], [sflag:$0x2] =	stream.linear.gather [hbm4b:s7+s2], $0x1800, $0x38;
	[tilespmem:$0x3F00] =	vst v63  }
0x2d: {  	_ =	swait.ge [sflag:s3], $0x1800  }
0x2e: {  	[sflag:s3] =	ssyncset.done $0x0  }
0x2f: {  	[sflag:s3] =	ssyncadd.s32 $0xFFFFE800  }
0x30: {  	[tilespmem:s11], [sflag:$0x1] =	stream.indirect.gather [hbm4b:s9+s10], $0x1, s2, s10, $0xb8;
	[tilespmem:$0x3F00] =	vst v63  }
0x31: {  	_ =	swait.ge [sflag:s12], $0x80  }
0x32: {  	[sflag:s12] =	ssyncset.done $0x0  }
0x33: {  	[sflag:s12] =	ssyncadd.s32 $0xFFFFFF80  }
0x34: {  	[hbm4b:s13+s2] =	stream.linear.scatter [tilespmem:s11], [sflag:$0x2], $0x180, $0x38;
	[tilespmem:$0x3F00] =	vst v63  }
0x35: {  	_ =	swait.ge [sflag:s3], $0x180  }
0x36: {  	[sflag:s3] =	ssyncset.done $0x0  }
0x37: {  	[sflag:s3] =	ssyncadd.s32 $0xFFFFFE80  }
0x38: {  	[hbm4b:s14+s2] =	stream.linear.scatter [tilespmem:s15], [sflag:$0x2], $0x600, $0x38;
	[tilespmem:$0x3F00] =	vst v63  }
0x39: {  	_ =	swait.ge [sflag:s3], $0x600  }
.Ltmp1:
0x3a: {  	[sflag:s3] =	ssyncset.done $0x0;
	(pc) =	sbr.rel @p0 .LBB2_1-.Ltmp1, $4  }
0x3b: {  	[sflag:s3] =	ssyncadd.s32 $0xFFFFFA00  }
0x3c: {  	[hbm4b:s16+s2] =	stream.linear.scatter [tilespmem:s17], [sflag:$0x2], $0x1800, $0x38;
	[tilespmem:$0x3F00] =	vst v63  }
0x3d: {  	_ =	swait.ge [sflag:s3], $0x1800  }
0x3e: {  	[sflag:s3] =	ssyncset.done $0x0  }
.LBB2_2:
0x3f: {  	[sflag:s3] =	ssyncadd.s32 $0xFFFFE800  }
0x40: {  	_ =	sfence.sel $0x180000  }
0x41: {  	[bflag:$0x0] =	sbarrier.arrive $0xFFFF  }
0x42: {  	p0 =	sne.s32 s0, $0x0;
	_ =	strace $0x90000047  }
0x43: {  	s0 =	sadd.s32 @!p0 $0x100000, s1;
	[bflag:$0x2] =	sbarrier.arrive $0xFFFF  }
0x44: {  	[sflag:s0] =	ssyncadd.tile.s32 @!p0 $0x1;
	_ =	shalt  }
.Lfunc_end2:
_tile_overlayer_lowered:
.L_overlay_start_2:
0x45: {  	(tag) =	ssettag $0x2  }
0x46: {  	s0 =	rddreg [dreg:$0x0];
	s2 =	stileid.u32  }
0x47: {  	s1 =	rddreg [dreg:$0x1];
	p0 =	sne.s32 s2, $0x0  }
0x48: {  	s3 =	rddreg [dreg:$0x2];
	[bflag:$0x3] =	sbarrier.arrive $0xFFFF;
	s2 =	simm.s32 @!p0 $0x1C02  }
0x49: {  	[timem:s3], [sflag:s2] =	dma.local @!p0 [hbm:s0], s1  }
0x4a: {  	s0 =	simm.s32 @!p0 $0x2  }
0x4b: {  	_ =	swait.ge @!p0 [sflag:s0], s1  }
0x4c: {  	s1 =	ssub.s32 @!p0 $0x0, s1;
	[sflag:s0] =	ssyncset.done @!p0 $0x0  }
0x4d: {  	[sflag:s0] =	ssyncadd.s32 @!p0 s1  }
0x4e: {  	[bflag:$0x3] =	sbarrier.arrive $0xFFFF  }
0x4f: {  	_ =	shalt  }

</sc_bundles>
